<compile_context>
chip_gen: v7x
topology: tpu7x:2x2x1
jax: 0.10.2.dev20260603
libtpu: 0.0.44.dev20260713+nightly
codegen_flags: <defaults>
</compile_context>

<pallas_src>
import functools

import jax
import jax.numpy as jnp
from jax import lax
from jax.experimental import pallas as pl
from jax.experimental.pallas import tpu as pltpu
from jax.experimental.pallas import tpu_sc as plsc


def _gate_body(nsteps, E, S, x_ref, w_ref, b_ref, idx_ref, val_ref, imp_ref,
               acc_ref):
    i = pl.program_id(0)
    xb = x_ref[...]
    logits = jnp.dot(xb, w_ref[...], preferred_element_type=jnp.float32)
    logits = logits + b_ref[...]

    ii = jax.lax.broadcasted_iota(jnp.int32, logits.shape, 1)
    m = jnp.max(logits, axis=-1, keepdims=True)
    idx1 = jnp.min(jnp.where(logits == m, ii, E), axis=-1, keepdims=True)
    masked = jnp.where(ii == idx1, -jnp.inf, logits)
    v2l = jnp.max(masked, axis=-1, keepdims=True)
    idx2 = jnp.min(jnp.where(masked == v2l, ii, E), axis=-1, keepdims=True)

    e = jnp.exp(logits - m)
    rcp_s = 1.0 / jnp.sum(e, axis=-1, keepdims=True)
    v1 = rcp_s
    v2 = jnp.exp(v2l - m) * rcp_s

    idx_ref[...] = jnp.transpose(jnp.concatenate([idx1, idx2], axis=1))
    val_ref[...] = jnp.transpose(jnp.concatenate([v1, v2], axis=1))

    @pl.when(i == 0)
    def _():
        acc_ref[...] = jnp.zeros_like(acc_ref)

    acc_ref[...] += jnp.sum(e * rcp_s, axis=0, keepdims=True)

    @pl.when(i == nsteps - 1)
    def _():
        imp_ref[...] = acc_ref[...]


def _tc_gate(x, W, b):
    S, D = x.shape
    E = W.shape[1]
    BS = 1024
    nsteps = S // BS
    b2 = b.reshape(1, E)

    body = functools.partial(_gate_body, nsteps, E, S)
    return pl.pallas_call(
        body,
        grid=(nsteps,),
        in_specs=[
            pl.BlockSpec((BS, D), lambda i: (i, 0)),
            pl.BlockSpec((D, E), lambda i: (0, 0)),
            pl.BlockSpec((1, E), lambda i: (0, 0)),
        ],
        out_specs=[
            pl.BlockSpec((2, BS), lambda i: (0, i)),
            pl.BlockSpec((2, BS), lambda i: (0, i)),
            pl.BlockSpec((1, E), lambda i: (0, 0)),
        ],
        out_shape=[
            jax.ShapeDtypeStruct((2, S), jnp.int32),
            jax.ShapeDtypeStruct((2, S), jnp.float32),
            jax.ShapeDtypeStruct((1, E), jnp.float32),
        ],
        scratch_shapes=[pltpu.VMEM((1, E), jnp.float32)],
        compiler_params=pltpu.CompilerParams(
            vmem_limit_bytes=60 * 1024 * 1024),
    )(x, W, b2)


def _sc_aux(idx2s, E, S):
    info = plsc.get_sparse_core_info()
    NC, NS, L = info.num_cores, info.num_subcores, info.num_lanes
    NW = NC * NS
    per_w = S // NW
    k = per_w // 128
    mesh = plsc.VectorSubcoreMesh(core_axis_name="c", subcore_axis_name="s")

    @functools.partial(
        pl.kernel, mesh=mesh,
        out_type=jax.ShapeDtypeStruct((NW * E,), jnp.float32),
        scratch_types=[
            pltpu.VMEM((k, 128), jnp.int32),
            pltpu.VMEM((128,), jnp.float32),
            pltpu.VMEM((E,), jnp.float32),
            pltpu.VMEM_SHARED((NS * E,), jnp.float32),
        ],
    )
    def sc_kernel(idx_hbm, bins_hbm, idxb, onesb, binsb, sbins):
        cid = lax.axis_index("c")
        sid = lax.axis_index("s")
        wid = sid * NC + cid

        for j in range(128 // L):
            onesb[pl.ds(j * L, L)] = jnp.ones((L,), jnp.float32)
        for j in range(E // L):
            binsb[pl.ds(j * L, L)] = jnp.zeros((L,), jnp.float32)
        pltpu.sync_copy(binsb, sbins.at[pl.ds(sid * E, E)])

        base = wid * per_w
        for j in range(k):
            pltpu.sync_copy(idx_hbm.at[pl.ds(base + j * 128, 128)],
                            idxb.at[j])
        off = sid * E
        for j in range(k):
            for m in range(128 // L):
                s = pl.ds(m * L, L)
                idxb[j, s] = idxb[j, s] + off

        for j in range(k):
            pltpu.sync_copy(onesb, sbins.at[idxb.at[j]], add=True)

        pltpu.sync_copy(sbins.at[pl.ds(sid * E, E)], binsb)
        pltpu.sync_copy(binsb, bins_hbm.at[pl.ds(wid * E, E)])

    return sc_kernel(idx2s)


def kernel(x, W, b):
    S, D = x.shape
    E = W.shape[1]
    idx_out, val_out, imp_out = _tc_gate(x, W, b)
    bins_parts = _sc_aux(idx_out[0], E, S)
    load_counts = jnp.sum(bins_parts.reshape(-1, E), axis=0)
    aux = (E / (S * S)) * jnp.dot(imp_out.reshape(E), load_counts)
    return (idx_out.T, val_out.T, aux)

# --- scband reference (transcript-rebuilt; emitter-appended) ---
"""Pipeline reference for scband-top-kgate-81956565942906 (READ-ONLY COPY).

The authoritative reference and input builder live on the scoring server;
editing this copy changes nothing except your own understanding.
"""

import jax, jax.numpy as jnp
import numpy as np

S, D, E, K = 32768, 4096, 64, 2


def setup_inputs(seed: int = 0) -> dict:
    key = jax.random.key(seed)
    k1, k2, k3 = jax.random.split(key, 3)
    x = jax.random.normal(k1, (S, D), dtype=jnp.float32)
    W = jax.random.normal(k2, (D, E), dtype=jnp.float32) * (1.0 / np.sqrt(D))
    b = jax.random.normal(k3, (E,), dtype=jnp.float32) * 0.01
    return {"x": x, "W": W, "b": b}


def reference(x, W, b):
    # logits = Linear(dim -> n_expert)
    logits = x @ W + b
    probs = jax.nn.softmax(logits, axis=-1)
    topk_vals, topk_idx = jax.lax.top_k(probs, K)
    S_, E_ = probs.shape
    importance = probs.mean(axis=0)
    hard1 = topk_idx[:, 0]
    load = jnp.zeros((E_,), dtype=probs.dtype).at[hard1].add(1.0)
    load = load / max(S_, 1)
    aux_loss = E_ * (importance * load).sum()
    return (topk_idx, topk_vals, aux_loss)

if __name__ == "__main__":
    import jax
    _d = setup_inputs()
    print(jax.jit(kernel)(*tuple(_d.values())))

</pallas_src>

<mosaic_0001>
#map = affine_map<(d0, d1) -> (0)>
module attributes {stable_mosaic.version = 14 : i64} {
  func.func @sc_kernel(%arg0: i32, %arg1: i32, %arg2: memref<32768xi32, #tpu.memory_space<hbm>>, %arg3: memref<2048xf32, #tpu.memory_space<hbm>>, %arg4: memref<8x128xi32, #tpu.memory_space<vmem>>, %arg5: memref<128xf32, #tpu.memory_space<vmem>>, %arg6: memref<64xf32, #tpu.memory_space<vmem>>, %arg7: memref<1024xf32, #tpu.memory_space<vmem_shared>>) attributes {dimension_semantics = [#tpu.dimension_semantics<core_parallel>, #tpu.dimension_semantics<subcore_parallel>], iteration_bounds = array<i64: 2, 16>, scalar_prefetch = 0 : i64, scratch_operands = 4 : i64, tpu.core_type = #tpu.core_type<sc_vector_subcore>, window_params = [{transform_indices = #map}, {transform_indices = #map}]} {
    %mul3A = arith.constant 2 : i32
    %mul3A_0 = arith.muli %arg1, %mul3A : i32
    %add3A = arith.addi %mul3A_0, %arg0 : i32
    %broadcast_in_dim3A = arith.constant 1.000000e+00 : f32
    %broadcast_in_dim3A_1 = vector.broadcast %broadcast_in_dim3A : f32 to vector<16xf32>
    %swap3A = arith.constant 0 : index
    %swap3A_2 = tpu.vector_load %arg5[%swap3A] {strides = array<i32>} : memref<128xf32, #tpu.memory_space<vmem>>, vector<16xf32>,
    %swap3A_3 = vector.shape_cast %swap3A_2 : vector<16xf32> to vector<16xf32>
    %swap3A_4 = vector.shape_cast %broadcast_in_dim3A_1 : vector<16xf32> to vector<16xf32>
    tpu.vector_store %arg5[%swap3A], %swap3A_4 {strides = array<i32>} : memref<128xf32, #tpu.memory_space<vmem>>, vector<16xf32>,
    %broadcast_in_dim3A_5 = arith.constant 1.000000e+00 : f32
    %broadcast_in_dim3A_6 = vector.broadcast %broadcast_in_dim3A_5 : f32 to vector<16xf32>
    %swap3A_7 = arith.constant 16 : index
    %swap3A_8 = tpu.vector_load %arg5[%swap3A_7] {strides = array<i32>} : memref<128xf32, #tpu.memory_space<vmem>>, vector<16xf32>,
    %swap3A_9 = vector.shape_cast %swap3A_8 : vector<16xf32> to vector<16xf32>
    %swap3A_10 = vector.shape_cast %broadcast_in_dim3A_6 : vector<16xf32> to vector<16xf32>
    tpu.vector_store %arg5[%swap3A_7], %swap3A_10 {strides = array<i32>} : memref<128xf32, #tpu.memory_space<vmem>>, vector<16xf32>,
    %broadcast_in_dim3A_11 = arith.constant 1.000000e+00 : f32
    %broadcast_in_dim3A_12 = vector.broadcast %broadcast_in_dim3A_11 : f32 to vector<16xf32>
    %swap3A_13 = arith.constant 32 : index
    %swap3A_14 = tpu.vector_load %arg5[%swap3A_13] {strides = array<i32>} : memref<128xf32, #tpu.memory_space<vmem>>, vector<16xf32>,
    %swap3A_15 = vector.shape_cast %swap3A_14 : vector<16xf32> to vector<16xf32>
    %swap3A_16 = vector.shape_cast %broadcast_in_dim3A_12 : vector<16xf32> to vector<16xf32>
    tpu.vector_store %arg5[%swap3A_13], %swap3A_16 {strides = array<i32>} : memref<128xf32, #tpu.memory_space<vmem>>, vector<16xf32>,
    %broadcast_in_dim3A_17 = arith.constant 1.000000e+00 : f32
    %broadcast_in_dim3A_18 = vector.broadcast %broadcast_in_dim3A_17 : f32 to vector<16xf32>
    %swap3A_19 = arith.constant 48 : index
    %swap3A_20 = tpu.vector_load %arg5[%swap3A_19] {strides = array<i32>} : memref<128xf32, #tpu.memory_space<vmem>>, vector<16xf32>,
    %swap3A_21 = vector.shape_cast %swap3A_20 : vector<16xf32> to vector<16xf32>
    %swap3A_22 = vector.shape_cast %broadcast_in_dim3A_18 : vector<16xf32> to vector<16xf32>
    tpu.vector_store %arg5[%swap3A_19], %swap3A_22 {strides = array<i32>} : memref<128xf32, #tpu.memory_space<vmem>>, vector<16xf32>,
    %broadcast_in_dim3A_23 = arith.constant 1.000000e+00 : f32
    %broadcast_in_dim3A_24 = vector.broadcast %broadcast_in_dim3A_23 : f32 to vector<16xf32>
    %swap3A_25 = arith.constant 64 : index
    %swap3A_26 = tpu.vector_load %arg5[%swap3A_25] {strides = array<i32>} : memref<128xf32, #tpu.memory_space<vmem>>, vector<16xf32>,
    %swap3A_27 = vector.shape_cast %swap3A_26 : vector<16xf32> to vector<16xf32>
    %swap3A_28 = vector.shape_cast %broadcast_in_dim3A_24 : vector<16xf32> to vector<16xf32>
    tpu.vector_store %arg5[%swap3A_25], %swap3A_28 {strides = array<i32>} : memref<128xf32, #tpu.memory_space<vmem>>, vector<16xf32>,
    %broadcast_in_dim3A_29 = arith.constant 1.000000e+00 : f32
    %broadcast_in_dim3A_30 = vector.broadcast %broadcast_in_dim3A_29 : f32 to vector<16xf32>
    %swap3A_31 = arith.constant 80 : index
    %swap3A_32 = tpu.vector_load %arg5[%swap3A_31] {strides = array<i32>} : memref<128xf32, #tpu.memory_space<vmem>>, vector<16xf32>,
    %swap3A_33 = vector.shape_cast %swap3A_32 : vector<16xf32> to vector<16xf32>
    %swap3A_34 = vector.shape_cast %broadcast_in_dim3A_30 : vector<16xf32> to vector<16xf32>
    tpu.vector_store %arg5[%swap3A_31], %swap3A_34 {strides = array<i32>} : memref<128xf32, #tpu.memory_space<vmem>>, vector<16xf32>,
    %broadcast_in_dim3A_35 = arith.constant 1.000000e+00 : f32
    %broadcast_in_dim3A_36 = vector.broadcast %broadcast_in_dim3A_35 : f32 to vector<16xf32>
    %swap3A_37 = arith.constant 96 : index
    %swap3A_38 = tpu.vector_load %arg5[%swap3A_37] {strides = array<i32>} : memref<128xf32, #tpu.memory_space<vmem>>, vector<16xf32>,
    %swap3A_39 = vector.shape_cast %swap3A_38 : vector<16xf32> to vector<16xf32>
    %swap3A_40 = vector.shape_cast %broadcast_in_dim3A_36 : vector<16xf32> to vector<16xf32>
    tpu.vector_store %arg5[%swap3A_37], %swap3A_40 {strides = array<i32>} : memref<128xf32, #tpu.memory_space<vmem>>, vector<16xf32>,
    %broadcast_in_dim3A_41 = arith.constant 1.000000e+00 : f32
    %broadcast_in_dim3A_42 = vector.broadcast %broadcast_in_dim3A_41 : f32 to vector<16xf32>
    %swap3A_43 = arith.constant 112 : index
    %swap3A_44 = tpu.vector_load %arg5[%swap3A_43] {strides = array<i32>} : memref<128xf32, #tpu.memory_space<vmem>>, vector<16xf32>,
    %swap3A_45 = vector.shape_cast %swap3A_44 : vector<16xf32> to vector<16xf32>
    %swap3A_46 = vector.shape_cast %broadcast_in_dim3A_42 : vector<16xf32> to vector<16xf32>
    tpu.vector_store %arg5[%swap3A_43], %swap3A_46 {strides = array<i32>} : memref<128xf32, #tpu.memory_space<vmem>>, vector<16xf32>,
    %broadcast_in_dim3A_47 = arith.constant 0.000000e+00 : f32
    %broadcast_in_dim3A_48 = vector.broadcast %broadcast_in_dim3A_47 : f32 to vector<16xf32>
    %swap3A_49 = arith.constant 0 : index
    %swap3A_50 = tpu.vector_load %arg6[%swap3A_49] {strides = array<i32>} : memref<64xf32, #tpu.memory_space<vmem>>, vector<16xf32>,
    %swap3A_51 = vector.shape_cast %swap3A_50 : vector<16xf32> to vector<16xf32>
    %swap3A_52 = vector.shape_cast %broadcast_in_dim3A_48 : vector<16xf32> to vector<16xf32>
    tpu.vector_store %arg6[%swap3A_49], %swap3A_52 {strides = array<i32>} : memref<64xf32, #tpu.memory_space<vmem>>, vector<16xf32>,
    %broadcast_in_dim3A_53 = arith.constant 0.000000e+00 : f32
    %broadcast_in_dim3A_54 = vector.broadcast %broadcast_in_dim3A_53 : f32 to vector<16xf32>
    %swap3A_55 = arith.constant 16 : index
    %swap3A_56 = tpu.vector_load %arg6[%swap3A_55] {strides = array<i32>} : memref<64xf32, #tpu.memory_space<vmem>>, vector<16xf32>,
    %swap3A_57 = vector.shape_cast %swap3A_56 : vector<16xf32> to vector<16xf32>
    %swap3A_58 = vector.shape_cast %broadcast_in_dim3A_54 : vector<16xf32> to vector<16xf32>
    tpu.vector_store %arg6[%swap3A_55], %swap3A_58 {strides = array<i32>} : memref<64xf32, #tpu.memory_space<vmem>>, vector<16xf32>,
    %broadcast_in_dim3A_59 = arith.constant 0.000000e+00 : f32
    %broadcast_in_dim3A_60 = vector.broadcast %broadcast_in_dim3A_59 : f32 to vector<16xf32>
    %swap3A_61 = arith.constant 32 : index
    %swap3A_62 = tpu.vector_load %arg6[%swap3A_61] {strides = array<i32>} : memref<64xf32, #tpu.memory_space<vmem>>, vector<16xf32>,
    %swap3A_63 = vector.shape_cast %swap3A_62 : vector<16xf32> to vector<16xf32>
    %swap3A_64 = vector.shape_cast %broadcast_in_dim3A_60 : vector<16xf32> to vector<16xf32>
    tpu.vector_store %arg6[%swap3A_61], %swap3A_64 {strides = array<i32>} : memref<64xf32, #tpu.memory_space<vmem>>, vector<16xf32>,
    %broadcast_in_dim3A_65 = arith.constant 0.000000e+00 : f32
    %broadcast_in_dim3A_66 = vector.broadcast %broadcast_in_dim3A_65 : f32 to vector<16xf32>
    %swap3A_67 = arith.constant 48 : index
    %swap3A_68 = tpu.vector_load %arg6[%swap3A_67] {strides = array<i32>} : memref<64xf32, #tpu.memory_space<vmem>>, vector<16xf32>,
    %swap3A_69 = vector.shape_cast %swap3A_68 : vector<16xf32> to vector<16xf32>
    %swap3A_70 = vector.shape_cast %broadcast_in_dim3A_66 : vector<16xf32> to vector<16xf32>
    tpu.vector_store %arg6[%swap3A_67], %swap3A_70 {strides = array<i32>} : memref<64xf32, #tpu.memory_space<vmem>>, vector<16xf32>,
    %mul3A_71 = arith.constant 64 : i32
    %mul3A_72 = arith.muli %arg1, %mul3A_71 : i32
    "tpu.region"() ({
      %run_scoped3A_943 = tpu.sem_alloc : memref<!tpu.dma_semaphore, #tpu.memory_space<semaphore_mem>>
      %dma_start3A = tpu.memref_slice %arg7[%mul3A_72] : memref<1024xf32, #tpu.memory_space<vmem_shared>> -> memref<64xf32, #tpu.memory_space<vmem_shared>>
      %dma_start3A_944 = tpu.memref_slice %arg7[%mul3A_72] : memref<1024xf32, #tpu.memory_space<vmem_shared>> -> memref<64xf32, #tpu.memory_space<vmem_shared>>
      tpu.enqueue_dma source(%arg6 : memref<64xf32, #tpu.memory_space<vmem>>) target(%dma_start3A_944 : memref<64xf32, #tpu.memory_space<vmem_shared>>) target_semaphore(%run_scoped3A_943 : memref<!tpu.dma_semaphore, #tpu.memory_space<semaphore_mem>>)
      %dma_wait3A = tpu.memref_slice %arg7[%mul3A_72] : memref<1024xf32, #tpu.memory_space<vmem_shared>> -> memref<64xf32, #tpu.memory_space<vmem_shared>>
      %dma_wait3A_945 = tpu.memref_slice %arg7[%mul3A_72] : memref<1024xf32, #tpu.memory_space<vmem_shared>> -> memref<64xf32, #tpu.memory_space<vmem_shared>>
      tpu.wait_dma2 semaphore(%run_scoped3A_943 : memref<!tpu.dma_semaphore, #tpu.memory_space<semaphore_mem>>) src(%arg6 : memref<64xf32, #tpu.memory_space<vmem>>) dst(%dma_wait3A_945 : memref<64xf32, #tpu.memory_space<vmem_shared>>)
      tpu.yield
    }) : () -> ()
    %mul3A_73 = arith.constant 1024 : i32
    %mul3A_74 = arith.muli %add3A, %mul3A_73 : i32
    %add3A_75 = arith.constant 0 : i32
    %add3A_76 = arith.addi %mul3A_74, %add3A_75 : i32
    %run_scoped3A = arith.constant 0 : i32
    "tpu.region"() ({
      %run_scoped3A_943 = tpu.sem_alloc : memref<!tpu.dma_semaphore, #tpu.memory_space<semaphore_mem>>
      %dma_start3A = arith.constant 0 : i32
      %dma_start3A_944 = tpu.memref_slice %arg4[%run_scoped3A, %dma_start3A] : memref<8x128xi32, #tpu.memory_space<vmem>> -> memref<1x128xi32, #tpu.memory_space<vmem>>
      %dma_start3A_945 = tpu.memref_squeeze %dma_start3A_944 : memref<1x128xi32, #tpu.memory_space<vmem>> -> memref<128xi32, #tpu.memory_space<vmem>>
      %dma_start3A_946 = tpu.memref_slice %arg2[%add3A_76] : memref<32768xi32, #tpu.memory_space<hbm>> -> memref<128xi32, #tpu.memory_space<hbm>>
      %dma_start3A_947 = arith.constant 0 : i32
      %dma_start3A_948 = tpu.memref_slice %arg4[%run_scoped3A, %dma_start3A_947] : memref<8x128xi32, #tpu.memory_space<vmem>> -> memref<1x128xi32, #tpu.memory_space<vmem>>
      %dma_start3A_949 = tpu.memref_squeeze %dma_start3A_948 : memref<1x128xi32, #tpu.memory_space<vmem>> -> memref<128xi32, #tpu.memory_space<vmem>>
      %dma_start3A_950 = tpu.memref_slice %arg2[%add3A_76] : memref<32768xi32, #tpu.memory_space<hbm>> -> memref<128xi32, #tpu.memory_space<hbm>>
      tpu.enqueue_dma source(%dma_start3A_950 : memref<128xi32, #tpu.memory_space<hbm>>) target(%dma_start3A_949 : memref<128xi32, #tpu.memory_space<vmem>>) target_semaphore(%run_scoped3A_943 : memref<!tpu.dma_semaphore, #tpu.memory_space<semaphore_mem>>)
      %dma_wait3A = arith.constant 0 : i32
      %dma_wait3A_951 = tpu.memref_slice %arg4[%run_scoped3A, %dma_wait3A] : memref<8x128xi32, #tpu.memory_space<vmem>> -> memref<1x128xi32, #tpu.memory_space<vmem>>
      %dma_wait3A_952 = tpu.memref_squeeze %dma_wait3A_951 : memref<1x128xi32, #tpu.memory_space<vmem>> -> memref<128xi32, #tpu.memory_space<vmem>>
      %dma_wait3A_953 = tpu.memref_slice %arg2[%add3A_76] : memref<32768xi32, #tpu.memory_space<hbm>> -> memref<128xi32, #tpu.memory_space<hbm>>
      %dma_wait3A_954 = arith.constant 0 : i32
      %dma_wait3A_955 = tpu.memref_slice %arg4[%run_scoped3A, %dma_wait3A_954] : memref<8x128xi32, #tpu.memory_space<vmem>> -> memref<1x128xi32, #tpu.memory_space<vmem>>
      %dma_wait3A_956 = tpu.memref_squeeze %dma_wait3A_955 : memref<1x128xi32, #tpu.memory_space<vmem>> -> memref<128xi32, #tpu.memory_space<vmem>>
      %dma_wait3A_957 = tpu.memref_slice %arg2[%add3A_76] : memref<32768xi32, #tpu.memory_space<hbm>> -> memref<128xi32, #tpu.memory_space<hbm>>
      tpu.wait_dma2 semaphore(%run_scoped3A_943 : memref<!tpu.dma_semaphore, #tpu.memory_space<semaphore_mem>>) src(%dma_wait3A_957 : memref<128xi32, #tpu.memory_space<hbm>>) dst(%dma_wait3A_956 : memref<128xi32, #tpu.memory_space<vmem>>)
      tpu.yield
    }) : () -> ()
    %add3A_77 = arith.constant 128 : i32
    %add3A_78 = arith.addi %mul3A_74, %add3A_77 : i32
    %run_scoped3A_79 = arith.constant 1 : i32
    "tpu.region"() ({
      %run_scoped3A_943 = tpu.sem_alloc : memref<!tpu.dma_semaphore, #tpu.memory_space<semaphore_mem>>
      %dma_start3A = arith.constant 0 : i32
      %dma_start3A_944 = tpu.memref_slice %arg4[%run_scoped3A_79, %dma_start3A] : memref<8x128xi32, #tpu.memory_space<vmem>> -> memref<1x128xi32, #tpu.memory_space<vmem>>
      %dma_start3A_945 = tpu.memref_squeeze %dma_start3A_944 : memref<1x128xi32, #tpu.memory_space<vmem>> -> memref<128xi32, #tpu.memory_space<vmem>>
      %dma_start3A_946 = tpu.memref_slice %arg2[%add3A_78] : memref<32768xi32, #tpu.memory_space<hbm>> -> memref<128xi32, #tpu.memory_space<hbm>>
      %dma_start3A_947 = arith.constant 0 : i32
      %dma_start3A_948 = tpu.memref_slice %arg4[%run_scoped3A_79, %dma_start3A_947] : memref<8x128xi32, #tpu.memory_space<vmem>> -> memref<1x128xi32, #tpu.memory_space<vmem>>
      %dma_start3A_949 = tpu.memref_squeeze %dma_start3A_948 : memref<1x128xi32, #tpu.memory_space<vmem>> -> memref<128xi32, #tpu.memory_space<vmem>>
      %dma_start3A_950 = tpu.memref_slice %arg2[%add3A_78] : memref<32768xi32, #tpu.memory_space<hbm>> -> memref<128xi32, #tpu.memory_space<hbm>>
      tpu.enqueue_dma source(%dma_start3A_950 : memref<128xi32, #tpu.memory_space<hbm>>) target(%dma_start3A_949 : memref<128xi32, #tpu.memory_space<vmem>>) target_semaphore(%run_scoped3A_943 : memref<!tpu.dma_semaphore, #tpu.memory_space<semaphore_mem>>)
      %dma_wait3A = arith.constant 0 : i32
      %dma_wait3A_951 = tpu.memref_slice %arg4[%run_scoped3A_79, %dma_wait3A] : memref<8x128xi32, #tpu.memory_space<vmem>> -> memref<1x128xi32, #tpu.memory_space<vmem>>
      %dma_wait3A_952 = tpu.memref_squeeze %dma_wait3A_951 : memref<1x128xi32, #tpu.memory_space<vmem>> -> memref<128xi32, #tpu.memory_space<vmem>>
      %dma_wait3A_953 = tpu.memref_slice %arg2[%add3A_78] : memref<32768xi32, #tpu.memory_space<hbm>> -> memref<128xi32, #tpu.memory_space<hbm>>
      %dma_wait3A_954 = arith.constant 0 : i32
      %dma_wait3A_955 = tpu.memref_slice %arg4[%run_scoped3A_79, %dma_wait3A_954] : memref<8x128xi32, #tpu.memory_space<vmem>> -> memref<1x128xi32, #tpu.memory_space<vmem>>
      %dma_wait3A_956 = tpu.memref_squeeze %dma_wait3A_955 : memref<1x128xi32, #tpu.memory_space<vmem>> -> memref<128xi32, #tpu.memory_space<vmem>>
      %dma_wait3A_957 = tpu.memref_slice %arg2[%add3A_78] : memref<32768xi32, #tpu.memory_space<hbm>> -> memref<128xi32, #tpu.memory_space<hbm>>
      tpu.wait_dma2 semaphore(%run_scoped3A_943 : memref<!tpu.dma_semaphore, #tpu.memory_space<semaphore_mem>>) src(%dma_wait3A_957 : memref<128xi32, #tpu.memory_space<hbm>>) dst(%dma_wait3A_956 : memref<128xi32, #tpu.memory_space<vmem>>)
      tpu.yield
    }) : () -> ()
    %add3A_80 = arith.constant 256 : i32
    %add3A_81 = arith.addi %mul3A_74, %add3A_80 : i32
    %run_scoped3A_82 = arith.constant 2 : i32
    "tpu.region"() ({
      %run_scoped3A_943 = tpu.sem_alloc : memref<!tpu.dma_semaphore, #tpu.memory_space<semaphore_mem>>
      %dma_start3A = arith.constant 0 : i32
      %dma_start3A_944 = tpu.memref_slice %arg4[%run_scoped3A_82, %dma_start3A] : memref<8x128xi32, #tpu.memory_space<vmem>> -> memref<1x128xi32, #tpu.memory_space<vmem>>
      %dma_start3A_945 = tpu.memref_squeeze %dma_start3A_944 : memref<1x128xi32, #tpu.memory_space<vmem>> -> memref<128xi32, #tpu.memory_space<vmem>>
      %dma_start3A_946 = tpu.memref_slice %arg2[%add3A_81] : memref<32768xi32, #tpu.memory_space<hbm>> -> memref<128xi32, #tpu.memory_space<hbm>>
      %dma_start3A_947 = arith.constant 0 : i32
      %dma_start3A_948 = tpu.memref_slice %arg4[%run_scoped3A_82, %dma_start3A_947] : memref<8x128xi32, #tpu.memory_space<vmem>> -> memref<1x128xi32, #tpu.memory_space<vmem>>
      %dma_start3A_949 = tpu.memref_squeeze %dma_start3A_948 : memref<1x128xi32, #tpu.memory_space<vmem>> -> memref<128xi32, #tpu.memory_space<vmem>>
      %dma_start3A_950 = tpu.memref_slice %arg2[%add3A_81] : memref<32768xi32, #tpu.memory_space<hbm>> -> memref<128xi32, #tpu.memory_space<hbm>>
      tpu.enqueue_dma source(%dma_start3A_950 : memref<128xi32, #tpu.memory_space<hbm>>) target(%dma_start3A_949 : memref<128xi32, #tpu.memory_space<vmem>>) target_semaphore(%run_scoped3A_943 : memref<!tpu.dma_semaphore, #tpu.memory_space<semaphore_mem>>)
      %dma_wait3A = arith.constant 0 : i32
      %dma_wait3A_951 = tpu.memref_slice %arg4[%run_scoped3A_82, %dma_wait3A] : memref<8x128xi32, #tpu.memory_space<vmem>> -> memref<1x128xi32, #tpu.memory_space<vmem>>
      %dma_wait3A_952 = tpu.memref_squeeze %dma_wait3A_951 : memref<1x128xi32, #tpu.memory_space<vmem>> -> memref<128xi32, #tpu.memory_space<vmem>>
      %dma_wait3A_953 = tpu.memref_slice %arg2[%add3A_81] : memref<32768xi32, #tpu.memory_space<hbm>> -> memref<128xi32, #tpu.memory_space<hbm>>
      %dma_wait3A_954 = arith.constant 0 : i32
      %dma_wait3A_955 = tpu.memref_slice %arg4[%run_scoped3A_82, %dma_wait3A_954] : memref<8x128xi32, #tpu.memory_space<vmem>> -> memref<1x128xi32, #tpu.memory_space<vmem>>
      %dma_wait3A_956 = tpu.memref_squeeze %dma_wait3A_955 : memref<1x128xi32, #tpu.memory_space<vmem>> -> memref<128xi32, #tpu.memory_space<vmem>>
      %dma_wait3A_957 = tpu.memref_slice %arg2[%add3A_81] : memref<32768xi32, #tpu.memory_space<hbm>> -> memref<128xi32, #tpu.memory_space<hbm>>
      tpu.wait_dma2 semaphore(%run_scoped3A_943 : memref<!tpu.dma_semaphore, #tpu.memory_space<semaphore_mem>>) src(%dma_wait3A_957 : memref<128xi32, #tpu.memory_space<hbm>>) dst(%dma_wait3A_956 : memref<128xi32, #tpu.memory_space<vmem>>)
      tpu.yield
    }) : () -> ()
    %add3A_83 = arith.constant 384 : i32
    %add3A_84 = arith.addi %mul3A_74, %add3A_83 : i32
    %run_scoped3A_85 = arith.constant 3 : i32
    "tpu.region"() ({
      %run_scoped3A_943 = tpu.sem_alloc : memref<!tpu.dma_semaphore, #tpu.memory_space<semaphore_mem>>
      %dma_start3A = arith.constant 0 : i32
      %dma_start3A_944 = tpu.memref_slice %arg4[%run_scoped3A_85, %dma_start3A] : memref<8x128xi32, #tpu.memory_space<vmem>> -> memref<1x128xi32, #tpu.memory_space<vmem>>
      %dma_start3A_945 = tpu.memref_squeeze %dma_start3A_944 : memref<1x128xi32, #tpu.memory_space<vmem>> -> memref<128xi32, #tpu.memory_space<vmem>>
      %dma_start3A_946 = tpu.memref_slice %arg2[%add3A_84] : memref<32768xi32, #tpu.memory_space<hbm>> -> memref<128xi32, #tpu.memory_space<hbm>>
      %dma_start3A_947 = arith.constant 0 : i32
      %dma_start3A_948 = tpu.memref_slice %arg4[%run_scoped3A_85, %dma_start3A_947] : memref<8x128xi32, #tpu.memory_space<vmem>> -> memref<1x128xi32, #tpu.memory_space<vmem>>
      %dma_start3A_949 = tpu.memref_squeeze %dma_start3A_948 : memref<1x128xi32, #tpu.memory_space<vmem>> -> memref<128xi32, #tpu.memory_space<vmem>>
      %dma_start3A_950 = tpu.memref_slice %arg2[%add3A_84] : memref<32768xi32, #tpu.memory_space<hbm>> -> memref<128xi32, #tpu.memory_space<hbm>>
      tpu.enqueue_dma source(%dma_start3A_950 : memref<128xi32, #tpu.memory_space<hbm>>) target(%dma_start3A_949 : memref<128xi32, #tpu.memory_space<vmem>>) target_semaphore(%run_scoped3A_943 : memref<!tpu.dma_semaphore, #tpu.memory_space<semaphore_mem>>)
      %dma_wait3A = arith.constant 0 : i32
      %dma_wait3A_951 = tpu.memref_slice %arg4[%run_scoped3A_85, %dma_wait3A] : memref<8x128xi32, #tpu.memory_space<vmem>> -> memref<1x128xi32, #tpu.memory_space<vmem>>
      %dma_wait3A_952 = tpu.memref_squeeze %dma_wait3A_951 : memref<1x128xi32, #tpu.memory_space<vmem>> -> memref<128xi32, #tpu.memory_space<vmem>>
      %dma_wait3A_953 = tpu.memref_slice %arg2[%add3A_84] : memref<32768xi32, #tpu.memory_space<hbm>> -> memref<128xi32, #tpu.memory_space<hbm>>
      %dma_wait3A_954 = arith.constant 0 : i32
      %dma_wait3A_955 = tpu.memref_slice %arg4[%run_scoped3A_85, %dma_wait3A_954] : memref<8x128xi32, #tpu.memory_space<vmem>> -> memref<1x128xi32, #tpu.memory_space<vmem>>
      %dma_wait3A_956 = tpu.memref_squeeze %dma_wait3A_955 : memref<1x128xi32, #tpu.memory_space<vmem>> -> memref<128xi32, #tpu.memory_space<vmem>>
      %dma_wait3A_957 = tpu.memref_slice %arg2[%add3A_84] : memref<32768xi32, #tpu.memory_space<hbm>> -> memref<128xi32, #tpu.memory_space<hbm>>
      tpu.wait_dma2 semaphore(%run_scoped3A_943 : memref<!tpu.dma_semaphore, #tpu.memory_space<semaphore_mem>>) src(%dma_wait3A_957 : memref<128xi32, #tpu.memory_space<hbm>>) dst(%dma_wait3A_956 : memref<128xi32, #tpu.memory_space<vmem>>)
      tpu.yield
    }) : () -> ()
    %add3A_86 = arith.constant 512 : i32
    %add3A_87 = arith.addi %mul3A_74, %add3A_86 : i32
    %run_scoped3A_88 = arith.constant 4 : i32
    "tpu.region"() ({
      %run_scoped3A_943 = tpu.sem_alloc : memref<!tpu.dma_semaphore, #tpu.memory_space<semaphore_mem>>
      %dma_start3A = arith.constant 0 : i32
      %dma_start3A_944 = tpu.memref_slice %arg4[%run_scoped3A_88, %dma_start3A] : memref<8x128xi32, #tpu.memory_space<vmem>> -> memref<1x128xi32, #tpu.memory_space<vmem>>
      %dma_start3A_945 = tpu.memref_squeeze %dma_start3A_944 : memref<1x128xi32, #tpu.memory_space<vmem>> -> memref<128xi32, #tpu.memory_space<vmem>>
      %dma_start3A_946 = tpu.memref_slice %arg2[%add3A_87] : memref<32768xi32, #tpu.memory_space<hbm>> -> memref<128xi32, #tpu.memory_space<hbm>>
      %dma_start3A_947 = arith.constant 0 : i32
      %dma_start3A_948 = tpu.memref_slice %arg4[%run_scoped3A_88, %dma_start3A_947] : memref<8x128xi32, #tpu.memory_space<vmem>> -> memref<1x128xi32, #tpu.memory_space<vmem>>
      %dma_start3A_949 = tpu.memref_squeeze %dma_start3A_948 : memref<1x128xi32, #tpu.memory_space<vmem>> -> memref<128xi32, #tpu.memory_space<vmem>>
      %dma_start3A_950 = tpu.memref_slice %arg2[%add3A_87] : memref<32768xi32, #tpu.memory_space<hbm>> -> memref<128xi32, #tpu.memory_space<hbm>>
      tpu.enqueue_dma source(%dma_start3A_950 : memref<128xi32, #tpu.memory_space<hbm>>) target(%dma_start3A_949 : memref<128xi32, #tpu.memory_space<vmem>>) target_semaphore(%run_scoped3A_943 : memref<!tpu.dma_semaphore, #tpu.memory_space<semaphore_mem>>)
      %dma_wait3A = arith.constant 0 : i32
      %dma_wait3A_951 = tpu.memref_slice %arg4[%run_scoped3A_88, %dma_wait3A] : memref<8x128xi32, #tpu.memory_space<vmem>> -> memref<1x128xi32, #tpu.memory_space<vmem>>
      %dma_wait3A_952 = tpu.memref_squeeze %dma_wait3A_951 : memref<1x128xi32, #tpu.memory_space<vmem>> -> memref<128xi32, #tpu.memory_space<vmem>>
      %dma_wait3A_953 = tpu.memref_slice %arg2[%add3A_87] : memref<32768xi32, #tpu.memory_space<hbm>> -> memref<128xi32, #tpu.memory_space<hbm>>
      %dma_wait3A_954 = arith.constant 0 : i32
      %dma_wait3A_955 = tpu.memref_slice %arg4[%run_scoped3A_88, %dma_wait3A_954] : memref<8x128xi32, #tpu.memory_space<vmem>> -> memref<1x128xi32, #tpu.memory_space<vmem>>
      %dma_wait3A_956 = tpu.memref_squeeze %dma_wait3A_955 : memref<1x128xi32, #tpu.memory_space<vmem>> -> memref<128xi32, #tpu.memory_space<vmem>>
      %dma_wait3A_957 = tpu.memref_slice %arg2[%add3A_87] : memref<32768xi32, #tpu.memory_space<hbm>> -> memref<128xi32, #tpu.memory_space<hbm>>
      tpu.wait_dma2 semaphore(%run_scoped3A_943 : memref<!tpu.dma_semaphore, #tpu.memory_space<semaphore_mem>>) src(%dma_wait3A_957 : memref<128xi32, #tpu.memory_space<hbm>>) dst(%dma_wait3A_956 : memref<128xi32, #tpu.memory_space<vmem>>)
      tpu.yield
    }) : () -> ()
    %add3A_89 = arith.constant 640 : i32
    %add3A_90 = arith.addi %mul3A_74, %add3A_89 : i32
    %run_scoped3A_91 = arith.constant 5 : i32
    "tpu.region"() ({
      %run_scoped3A_943 = tpu.sem_alloc : memref<!tpu.dma_semaphore, #tpu.memory_space<semaphore_mem>>
      %dma_start3A = arith.constant 0 : i32
      %dma_start3A_944 = tpu.memref_slice %arg4[%run_scoped3A_91, %dma_start3A] : memref<8x128xi32, #tpu.memory_space<vmem>> -> memref<1x128xi32, #tpu.memory_space<vmem>>
      %dma_start3A_945 = tpu.memref_squeeze %dma_start3A_944 : memref<1x128xi32, #tpu.memory_space<vmem>> -> memref<128xi32, #tpu.memory_space<vmem>>
      %dma_start3A_946 = tpu.memref_slice %arg2[%add3A_90] : memref<32768xi32, #tpu.memory_space<hbm>> -> memref<128xi32, #tpu.memory_space<hbm>>
      %dma_start3A_947 = arith.constant 0 : i32
      %dma_start3A_948 = tpu.memref_slice %arg4[%run_scoped3A_91, %dma_start3A_947] : memref<8x128xi32, #tpu.memory_space<vmem>> -> memref<1x128xi32, #tpu.memory_space<vmem>>
      %dma_start3A_949 = tpu.memref_squeeze %dma_start3A_948 : memref<1x128xi32, #tpu.memory_space<vmem>> -> memref<128xi32, #tpu.memory_space<vmem>>
      %dma_start3A_950 = tpu.memref_slice %arg2[%add3A_90] : memref<32768xi32, #tpu.memory_space<hbm>> -> memref<128xi32, #tpu.memory_space<hbm>>
      tpu.enqueue_dma source(%dma_start3A_950 : memref<128xi32, #tpu.memory_space<hbm>>) target(%dma_start3A_949 : memref<128xi32, #tpu.memory_space<vmem>>) target_semaphore(%run_scoped3A_943 : memref<!tpu.dma_semaphore, #tpu.memory_space<semaphore_mem>>)
      %dma_wait3A = arith.constant 0 : i32
      %dma_wait3A_951 = tpu.memref_slice %arg4[%run_scoped3A_91, %dma_wait3A] : memref<8x128xi32, #tpu.memory_space<vmem>> -> memref<1x128xi32, #tpu.memory_space<vmem>>
      %dma_wait3A_952 = tpu.memref_squeeze %dma_wait3A_951 : memref<1x128xi32, #tpu.memory_space<vmem>> -> memref<128xi32, #tpu.memory_space<vmem>>
      %dma_wait3A_953 = tpu.memref_slice %arg2[%add3A_90] : memref<32768xi32, #tpu.memory_space<hbm>> -> memref<128xi32, #tpu.memory_space<hbm>>
      %dma_wait3A_954 = arith.constant 0 : i32
      %dma_wait3A_955 = tpu.memref_slice %arg4[%run_scoped3A_91, %dma_wait3A_954] : memref<8x128xi32, #tpu.memory_space<vmem>> -> memref<1x128xi32, #tpu.memory_space<vmem>>
      %dma_wait3A_956 = tpu.memref_squeeze %dma_wait3A_955 : memref<1x128xi32, #tpu.memory_space<vmem>> -> memref<128xi32, #tpu.memory_space<vmem>>
      %dma_wait3A_957 = tpu.memref_slice %arg2[%add3A_90] : memref<32768xi32, #tpu.memory_space<hbm>> -> memref<128xi32, #tpu.memory_space<hbm>>
      tpu.wait_dma2 semaphore(%run_scoped3A_943 : memref<!tpu.dma_semaphore, #tpu.memory_space<semaphore_mem>>) src(%dma_wait3A_957 : memref<128xi32, #tpu.memory_space<hbm>>) dst(%dma_wait3A_956 : memref<128xi32, #tpu.memory_space<vmem>>)
      tpu.yield
    }) : () -> ()
    %add3A_92 = arith.constant 768 : i32
    %add3A_93 = arith.addi %mul3A_74, %add3A_92 : i32
    %run_scoped3A_94 = arith.constant 6 : i32
    "tpu.region"() ({
      %run_scoped3A_943 = tpu.sem_alloc : memref<!tpu.dma_semaphore, #tpu.memory_space<semaphore_mem>>
      %dma_start3A = arith.constant 0 : i32
      %dma_start3A_944 = tpu.memref_slice %arg4[%run_scoped3A_94, %dma_start3A] : memref<8x128xi32, #tpu.memory_space<vmem>> -> memref<1x128xi32, #tpu.memory_space<vmem>>
      %dma_start3A_945 = tpu.memref_squeeze %dma_start3A_944 : memref<1x128xi32, #tpu.memory_space<vmem>> -> memref<128xi32, #tpu.memory_space<vmem>>
      %dma_start3A_946 = tpu.memref_slice %arg2[%add3A_93] : memref<32768xi32, #tpu.memory_space<hbm>> -> memref<128xi32, #tpu.memory_space<hbm>>
      %dma_start3A_947 = arith.constant 0 : i32
      %dma_start3A_948 = tpu.memref_slice %arg4[%run_scoped3A_94, %dma_start3A_947] : memref<8x128xi32, #tpu.memory_space<vmem>> -> memref<1x128xi32, #tpu.memory_space<vmem>>
      %dma_start3A_949 = tpu.memref_squeeze %dma_start3A_948 : memref<1x128xi32, #tpu.memory_space<vmem>> -> memref<128xi32, #tpu.memory_space<vmem>>
      %dma_start3A_950 = tpu.memref_slice %arg2[%add3A_93] : memref<32768xi32, #tpu.memory_space<hbm>> -> memref<128xi32, #tpu.memory_space<hbm>>
      tpu.enqueue_dma source(%dma_start3A_950 : memref<128xi32, #tpu.memory_space<hbm>>) target(%dma_start3A_949 : memref<128xi32, #tpu.memory_space<vmem>>) target_semaphore(%run_scoped3A_943 : memref<!tpu.dma_semaphore, #tpu.memory_space<semaphore_mem>>)
      %dma_wait3A = arith.constant 0 : i32
      %dma_wait3A_951 = tpu.memref_slice %arg4[%run_scoped3A_94, %dma_wait3A] : memref<8x128xi32, #tpu.memory_space<vmem>> -> memref<1x128xi32, #tpu.memory_space<vmem>>
      %dma_wait3A_952 = tpu.memref_squeeze %dma_wait3A_951 : memref<1x128xi32, #tpu.memory_space<vmem>> -> memref<128xi32, #tpu.memory_space<vmem>>
      %dma_wait3A_953 = tpu.memref_slice %arg2[%add3A_93] : memref<32768xi32, #tpu.memory_space<hbm>> -> memref<128xi32, #tpu.memory_space<hbm>>
      %dma_wait3A_954 = arith.constant 0 : i32
      %dma_wait3A_955 = tpu.memref_slice %arg4[%run_scoped3A_94, %dma_wait3A_954] : memref<8x128xi32, #tpu.memory_space<vmem>> -> memref<1x128xi32, #tpu.memory_space<vmem>>
      %dma_wait3A_956 = tpu.memref_squeeze %dma_wait3A_955 : memref<1x128xi32, #tpu.memory_space<vmem>> -> memref<128xi32, #tpu.memory_space<vmem>>
      %dma_wait3A_957 = tpu.memref_slice %arg2[%add3A_93] : memref<32768xi32, #tpu.memory_space<hbm>> -> memref<128xi32, #tpu.memory_space<hbm>>
      tpu.wait_dma2 semaphore(%run_scoped3A_943 : memref<!tpu.dma_semaphore, #tpu.memory_space<semaphore_mem>>) src(%dma_wait3A_957 : memref<128xi32, #tpu.memory_space<hbm>>) dst(%dma_wait3A_956 : memref<128xi32, #tpu.memory_space<vmem>>)
      tpu.yield
    }) : () -> ()
    %add3A_95 = arith.constant 896 : i32
    %add3A_96 = arith.addi %mul3A_74, %add3A_95 : i32
    %run_scoped3A_97 = arith.constant 7 : i32
    "tpu.region"() ({
      %run_scoped3A_943 = tpu.sem_alloc : memref<!tpu.dma_semaphore, #tpu.memory_space<semaphore_mem>>
      %dma_start3A = arith.constant 0 : i32
      %dma_start3A_944 = tpu.memref_slice %arg4[%run_scoped3A_97, %dma_start3A] : memref<8x128xi32, #tpu.memory_space<vmem>> -> memref<1x128xi32, #tpu.memory_space<vmem>>
      %dma_start3A_945 = tpu.memref_squeeze %dma_start3A_944 : memref<1x128xi32, #tpu.memory_space<vmem>> -> memref<128xi32, #tpu.memory_space<vmem>>
      %dma_start3A_946 = tpu.memref_slice %arg2[%add3A_96] : memref<32768xi32, #tpu.memory_space<hbm>> -> memref<128xi32, #tpu.memory_space<hbm>>
      %dma_start3A_947 = arith.constant 0 : i32
      %dma_start3A_948 = tpu.memref_slice %arg4[%run_scoped3A_97, %dma_start3A_947] : memref<8x128xi32, #tpu.memory_space<vmem>> -> memref<1x128xi32, #tpu.memory_space<vmem>>
      %dma_start3A_949 = tpu.memref_squeeze %dma_start3A_948 : memref<1x128xi32, #tpu.memory_space<vmem>> -> memref<128xi32, #tpu.memory_space<vmem>>
      %dma_start3A_950 = tpu.memref_slice %arg2[%add3A_96] : memref<32768xi32, #tpu.memory_space<hbm>> -> memref<128xi32, #tpu.memory_space<hbm>>
      tpu.enqueue_dma source(%dma_start3A_950 : memref<128xi32, #tpu.memory_space<hbm>>) target(%dma_start3A_949 : memref<128xi32, #tpu.memory_space<vmem>>) target_semaphore(%run_scoped3A_943 : memref<!tpu.dma_semaphore, #tpu.memory_space<semaphore_mem>>)
      %dma_wait3A = arith.constant 0 : i32
      %dma_wait3A_951 = tpu.memref_slice %arg4[%run_scoped3A_97, %dma_wait3A] : memref<8x128xi32, #tpu.memory_space<vmem>> -> memref<1x128xi32, #tpu.memory_space<vmem>>
      %dma_wait3A_952 = tpu.memref_squeeze %dma_wait3A_951 : memref<1x128xi32, #tpu.memory_space<vmem>> -> memref<128xi32, #tpu.memory_space<vmem>>
      %dma_wait3A_953 = tpu.memref_slice %arg2[%add3A_96] : memref<32768xi32, #tpu.memory_space<hbm>> -> memref<128xi32, #tpu.memory_space<hbm>>
      %dma_wait3A_954 = arith.constant 0 : i32
      %dma_wait3A_955 = tpu.memref_slice %arg4[%run_scoped3A_97, %dma_wait3A_954] : memref<8x128xi32, #tpu.memory_space<vmem>> -> memref<1x128xi32, #tpu.memory_space<vmem>>
      %dma_wait3A_956 = tpu.memref_squeeze %dma_wait3A_955 : memref<1x128xi32, #tpu.memory_space<vmem>> -> memref<128xi32, #tpu.memory_space<vmem>>
      %dma_wait3A_957 = tpu.memref_slice %arg2[%add3A_96] : memref<32768xi32, #tpu.memory_space<hbm>> -> memref<128xi32, #tpu.memory_space<hbm>>
      tpu.wait_dma2 semaphore(%run_scoped3A_943 : memref<!tpu.dma_semaphore, #tpu.memory_space<semaphore_mem>>) src(%dma_wait3A_957 : memref<128xi32, #tpu.memory_space<hbm>>) dst(%dma_wait3A_956 : memref<128xi32, #tpu.memory_space<vmem>>)
      tpu.yield
    }) : () -> ()
    %mul3A_98 = arith.constant 64 : i32
    %mul3A_99 = arith.muli %arg1, %mul3A_98 : i32
    %get3A = arith.constant 0 : i32
    %get3A_100 = arith.index_cast %get3A : i32 to index
    %get3A_101 = arith.constant 0 : index
    %get3A_102 = tpu.vector_load %arg4[%get3A_100, %get3A_101] {strides = array<i32>} : memref<8x128xi32, #tpu.memory_space<vmem>>, vector<1x16xi32>,
    %get3A_103 = vector.shape_cast %get3A_102 : vector<1x16xi32> to vector<16xi32>
    %add3A_104 = vector.broadcast %mul3A_99 : i32 to vector<16xi32>
    %add3A_105 = arith.addi %get3A_103, %add3A_104 : vector<16xi32>
    %swap3A_106 = arith.constant 0 : i32
    %swap3A_107 = arith.index_cast %swap3A_106 : i32 to index
    %swap3A_108 = arith.constant 0 : index
    %swap3A_109 = tpu.vector_load %arg4[%swap3A_107, %swap3A_108] {strides = array<i32>} : memref<8x128xi32, #tpu.memory_space<vmem>>, vector<1x16xi32>,
    %swap3A_110 = vector.shape_cast %swap3A_109 : vector<1x16xi32> to vector<16xi32>
    %swap3A_111 = vector.shape_cast %add3A_105 : vector<16xi32> to vector<1x16xi32>
    tpu.vector_store %arg4[%swap3A_107, %swap3A_108], %swap3A_111 {strides = array<i32>} : memref<8x128xi32, #tpu.memory_space<vmem>>, vector<1x16xi32>,
    %get3A_112 = arith.constant 0 : i32
    %get3A_113 = arith.index_cast %get3A_112 : i32 to index
    %get3A_114 = arith.constant 16 : index
    %get3A_115 = tpu.vector_load %arg4[%get3A_113, %get3A_114] {strides = array<i32>} : memref<8x128xi32, #tpu.memory_space<vmem>>, vector<1x16xi32>,
    %get3A_116 = vector.shape_cast %get3A_115 : vector<1x16xi32> to vector<16xi32>
    %add3A_117 = vector.broadcast %mul3A_99 : i32 to vector<16xi32>
    %add3A_118 = arith.addi %get3A_116, %add3A_117 : vector<16xi32>
    %swap3A_119 = arith.constant 0 : i32
    %swap3A_120 = arith.index_cast %swap3A_119 : i32 to index
    %swap3A_121 = arith.constant 16 : index
    %swap3A_122 = tpu.vector_load %arg4[%swap3A_120, %swap3A_121] {strides = array<i32>} : memref<8x128xi32, #tpu.memory_space<vmem>>, vector<1x16xi32>,
    %swap3A_123 = vector.shape_cast %swap3A_122 : vector<1x16xi32> to vector<16xi32>
    %swap3A_124 = vector.shape_cast %add3A_118 : vector<16xi32> to vector<1x16xi32>
    tpu.vector_store %arg4[%swap3A_120, %swap3A_121], %swap3A_124 {strides = array<i32>} : memref<8x128xi32, #tpu.memory_space<vmem>>, vector<1x16xi32>,
    %get3A_125 = arith.constant 0 : i32
    %get3A_126 = arith.index_cast %get3A_125 : i32 to index
    %get3A_127 = arith.constant 32 : index
    %get3A_128 = tpu.vector_load %arg4[%get3A_126, %get3A_127] {strides = array<i32>} : memref<8x128xi32, #tpu.memory_space<vmem>>, vector<1x16xi32>,
    %get3A_129 = vector.shape_cast %get3A_128 : vector<1x16xi32> to vector<16xi32>
    %add3A_130 = vector.broadcast %mul3A_99 : i32 to vector<16xi32>
    %add3A_131 = arith.addi %get3A_129, %add3A_130 : vector<16xi32>
    %swap3A_132 = arith.constant 0 : i32
    %swap3A_133 = arith.index_cast %swap3A_132 : i32 to index
    %swap3A_134 = arith.constant 32 : index
    %swap3A_135 = tpu.vector_load %arg4[%swap3A_133, %swap3A_134] {strides = array<i32>} : memref<8x128xi32, #tpu.memory_space<vmem>>, vector<1x16xi32>,
    %swap3A_136 = vector.shape_cast %swap3A_135 : vector<1x16xi32> to vector<16xi32>
    %swap3A_137 = vector.shape_cast %add3A_131 : vector<16xi32> to vector<1x16xi32>
    tpu.vector_store %arg4[%swap3A_133, %swap3A_134], %swap3A_137 {strides = array<i32>} : memref<8x128xi32, #tpu.memory_space<vmem>>, vector<1x16xi32>,
    %get3A_138 = arith.constant 0 : i32
    %get3A_139 = arith.index_cast %get3A_138 : i32 to index
    %get3A_140 = arith.constant 48 : index
    %get3A_141 = tpu.vector_load %arg4[%get3A_139, %get3A_140] {strides = array<i32>} : memref<8x128xi32, #tpu.memory_space<vmem>>, vector<1x16xi32>,
    %get3A_142 = vector.shape_cast %get3A_141 : vector<1x16xi32> to vector<16xi32>
    %add3A_143 = vector.broadcast %mul3A_99 : i32 to vector<16xi32>
    %add3A_144 = arith.addi %get3A_142, %add3A_143 : vector<16xi32>
    %swap3A_145 = arith.constant 0 : i32
    %swap3A_146 = arith.index_cast %swap3A_145 : i32 to index
    %swap3A_147 = arith.constant 48 : index
    %swap3A_148 = tpu.vector_load %arg4[%swap3A_146, %swap3A_147] {strides = array<i32>} : memref<8x128xi32, #tpu.memory_space<vmem>>, vector<1x16xi32>,
    %swap3A_149 = vector.shape_cast %swap3A_148 : vector<1x16xi32> to vector<16xi32>
    %swap3A_150 = vector.shape_cast %add3A_144 : vector<16xi32> to vector<1x16xi32>
    tpu.vector_store %arg4[%swap3A_146, %swap3A_147], %swap3A_150 {strides = array<i32>} : memref<8x128xi32, #tpu.memory_space<vmem>>, vector<1x16xi32>,
    %get3A_151 = arith.constant 0 : i32
    %get3A_152 = arith.index_cast %get3A_151 : i32 to index
    %get3A_153 = arith.constant 64 : index
    %get3A_154 = tpu.vector_load %arg4[%get3A_152, %get3A_153] {strides = array<i32>} : memref<8x128xi32, #tpu.memory_space<vmem>>, vector<1x16xi32>,
    %get3A_155 = vector.shape_cast %get3A_154 : vector<1x16xi32> to vector<16xi32>
    %add3A_156 = vector.broadcast %mul3A_99 : i32 to vector<16xi32>
    %add3A_157 = arith.addi %get3A_155, %add3A_156 : vector<16xi32>
    %swap3A_158 = arith.constant 0 : i32
    %swap3A_159 = arith.index_cast %swap3A_158 : i32 to index
    %swap3A_160 = arith.constant 64 : index
    %swap3A_161 = tpu.vector_load %arg4[%swap3A_159, %swap3A_160] {strides = array<i32>} : memref<8x128xi32, #tpu.memory_space<vmem>>, vector<1x16xi32>,
    %swap3A_162 = vector.shape_cast %swap3A_161 : vector<1x16xi32> to vector<16xi32>
    %swap3A_163 = vector.shape_cast %add3A_157 : vector<16xi32> to vector<1x16xi32>
    tpu.vector_store %arg4[%swap3A_159, %swap3A_160], %swap3A_163 {strides = array<i32>} : memref<8x128xi32, #tpu.memory_space<vmem>>, vector<1x16xi32>,
    %get3A_164 = arith.constant 0 : i32
    %get3A_165 = arith.index_cast %get3A_164 : i32 to index
    %get3A_166 = arith.constant 80 : index
    %get3A_167 = tpu.vector_load %arg4[%get3A_165, %get3A_166] {strides = array<i32>} : memref<8x128xi32, #tpu.memory_space<vmem>>, vector<1x16xi32>,
    %get3A_168 = vector.shape_cast %get3A_167 : vector<1x16xi32> to vector<16xi32>
    %add3A_169 = vector.broadcast %mul3A_99 : i32 to vector<16xi32>
    %add3A_170 = arith.addi %get3A_168, %add3A_169 : vector<16xi32>
    %swap3A_171 = arith.constant 0 : i32
    %swap3A_172 = arith.index_cast %swap3A_171 : i32 to index
    %swap3A_173 = arith.constant 80 : index
    %swap3A_174 = tpu.vector_load %arg4[%swap3A_172, %swap3A_173] {strides = array<i32>} : memref<8x128xi32, #tpu.memory_space<vmem>>, vector<1x16xi32>,
    %swap3A_175 = vector.shape_cast %swap3A_174 : vector<1x16xi32> to vector<16xi32>
    %swap3A_176 = vector.shape_cast %add3A_170 : vector<16xi32> to vector<1x16xi32>
    tpu.vector_store %arg4[%swap3A_172, %swap3A_173], %swap3A_176 {strides = array<i32>} : memref<8x128xi32, #tpu.memory_space<vmem>>, vector<1x16xi32>,
    %get3A_177 = arith.constant 0 : i32
    %get3A_178 = arith.index_cast %get3A_177 : i32 to index
    %get3A_179 = arith.constant 96 : index
    %get3A_180 = tpu.vector_load %arg4[%get3A_178, %get3A_179] {strides = array<i32>} : memref<8x128xi32, #tpu.memory_space<vmem>>, vector<1x16xi32>,
    %get3A_181 = vector.shape_cast %get3A_180 : vector<1x16xi32> to vector<16xi32>
    %add3A_182 = vector.broadcast %mul3A_99 : i32 to vector<16xi32>
    %add3A_183 = arith.addi %get3A_181, %add3A_182 : vector<16xi32>
    %swap3A_184 = arith.constant 0 : i32
    %swap3A_185 = arith.index_cast %swap3A_184 : i32 to index
    %swap3A_186 = arith.constant 96 : index
    %swap3A_187 = tpu.vector_load %arg4[%swap3A_185, %swap3A_186] {strides = array<i32>} : memref<8x128xi32, #tpu.memory_space<vmem>>, vector<1x16xi32>,
    %swap3A_188 = vector.shape_cast %swap3A_187 : vector<1x16xi32> to vector<16xi32>
    %swap3A_189 = vector.shape_cast %add3A_183 : vector<16xi32> to vector<1x16xi32>
    tpu.vector_store %arg4[%swap3A_185, %swap3A_186], %swap3A_189 {strides = array<i32>} : memref<8x128xi32, #tpu.memory_space<vmem>>, vector<1x16xi32>,
    %get3A_190 = arith.constant 0 : i32
    %get3A_191 = arith.index_cast %get3A_190 : i32 to index
    %get3A_192 = arith.constant 112 : index
    %get3A_193 = tpu.vector_load %arg4[%get3A_191, %get3A_192] {strides = array<i32>} : memref<8x128xi32, #tpu.memory_space<vmem>>, vector<1x16xi32>,
    %get3A_194 = vector.shape_cast %get3A_193 : vector<1x16xi32> to vector<16xi32>
    %add3A_195 = vector.broadcast %mul3A_99 : i32 to vector<16xi32>
    %add3A_196 = arith.addi %get3A_194, %add3A_195 : vector<16xi32>
    %swap3A_197 = arith.constant 0 : i32
    %swap3A_198 = arith.index_cast %swap3A_197 : i32 to index
    %swap3A_199 = arith.constant 112 : index
    %swap3A_200 = tpu.vector_load %arg4[%swap3A_198, %swap3A_199] {strides = array<i32>} : memref<8x128xi32, #tpu.memory_space<vmem>>, vector<1x16xi32>,
    %swap3A_201 = vector.shape_cast %swap3A_200 : vector<1x16xi32> to vector<16xi32>
    %swap3A_202 = vector.shape_cast %add3A_196 : vector<16xi32> to vector<1x16xi32>
    tpu.vector_store %arg4[%swap3A_198, %swap3A_199], %swap3A_202 {strides = array<i32>} : memref<8x128xi32, #tpu.memory_space<vmem>>, vector<1x16xi32>,
    %get3A_203 = arith.constant 1 : i32
    %get3A_204 = arith.index_cast %get3A_203 : i32 to index
    %get3A_205 = arith.constant 0 : index
    %get3A_206 = tpu.vector_load %arg4[%get3A_204, %get3A_205] {strides = array<i32>} : memref<8x128xi32, #tpu.memory_space<vmem>>, vector<1x16xi32>,
    %get3A_207 = vector.shape_cast %get3A_206 : vector<1x16xi32> to vector<16xi32>
    %add3A_208 = vector.broadcast %mul3A_99 : i32 to vector<16xi32>
    %add3A_209 = arith.addi %get3A_207, %add3A_208 : vector<16xi32>
    %swap3A_210 = arith.constant 1 : i32
    %swap3A_211 = arith.index_cast %swap3A_210 : i32 to index
    %swap3A_212 = arith.constant 0 : index
    %swap3A_213 = tpu.vector_load %arg4[%swap3A_211, %swap3A_212] {strides = array<i32>} : memref<8x128xi32, #tpu.memory_space<vmem>>, vector<1x16xi32>,
    %swap3A_214 = vector.shape_cast %swap3A_213 : vector<1x16xi32> to vector<16xi32>
    %swap3A_215 = vector.shape_cast %add3A_209 : vector<16xi32> to vector<1x16xi32>
    tpu.vector_store %arg4[%swap3A_211, %swap3A_212], %swap3A_215 {strides = array<i32>} : memref<8x128xi32, #tpu.memory_space<vmem>>, vector<1x16xi32>,
    %get3A_216 = arith.constant 1 : i32
    %get3A_217 = arith.index_cast %get3A_216 : i32 to index
    %get3A_218 = arith.constant 16 : index
    %get3A_219 = tpu.vector_load %arg4[%get3A_217, %get3A_218] {strides = array<i32>} : memref<8x128xi32, #tpu.memory_space<vmem>>, vector<1x16xi32>,
    %get3A_220 = vector.shape_cast %get3A_219 : vector<1x16xi32> to vector<16xi32>
    %add3A_221 = vector.broadcast %mul3A_99 : i32 to vector<16xi32>
    %add3A_222 = arith.addi %get3A_220, %add3A_221 : vector<16xi32>
    %swap3A_223 = arith.constant 1 : i32
    %swap3A_224 = arith.index_cast %swap3A_223 : i32 to index
    %swap3A_225 = arith.constant 16 : index
    %swap3A_226 = tpu.vector_load %arg4[%swap3A_224, %swap3A_225] {strides = array<i32>} : memref<8x128xi32, #tpu.memory_space<vmem>>, vector<1x16xi32>,
    %swap3A_227 = vector.shape_cast %swap3A_226 : vector<1x16xi32> to vector<16xi32>
    %swap3A_228 = vector.shape_cast %add3A_222 : vector<16xi32> to vector<1x16xi32>
    tpu.vector_store %arg4[%swap3A_224, %swap3A_225], %swap3A_228 {strides = array<i32>} : memref<8x128xi32, #tpu.memory_space<vmem>>, vector<1x16xi32>,
    %get3A_229 = arith.constant 1 : i32
    %get3A_230 = arith.index_cast %get3A_229 : i32 to index
    %get3A_231 = arith.constant 32 : index
    %get3A_232 = tpu.vector_load %arg4[%get3A_230, %get3A_231] {strides = array<i32>} : memref<8x128xi32, #tpu.memory_space<vmem>>, vector<1x16xi32>,
    %get3A_233 = vector.shape_cast %get3A_232 : vector<1x16xi32> to vector<16xi32>
    %add3A_234 = vector.broadcast %mul3A_99 : i32 to vector<16xi32>
    %add3A_235 = arith.addi %get3A_233, %add3A_234 : vector<16xi32>
    %swap3A_236 = arith.constant 1 : i32
    %swap3A_237 = arith.index_cast %swap3A_236 : i32 to index
    %swap3A_238 = arith.constant 32 : index
    %swap3A_239 = tpu.vector_load %arg4[%swap3A_237, %swap3A_238] {strides = array<i32>} : memref<8x128xi32, #tpu.memory_space<vmem>>, vector<1x16xi32>,
    %swap3A_240 = vector.shape_cast %swap3A_239 : vector<1x16xi32> to vector<16xi32>
    %swap3A_241 = vector.shape_cast %add3A_235 : vector<16xi32> to vector<1x16xi32>
    tpu.vector_store %arg4[%swap3A_237, %swap3A_238], %swap3A_241 {strides = array<i32>} : memref<8x128xi32, #tpu.memory_space<vmem>>, vector<1x16xi32>,
    %get3A_242 = arith.constant 1 : i32
    %get3A_243 = arith.index_cast %get3A_242 : i32 to index
    %get3A_244 = arith.constant 48 : index
    %get3A_245 = tpu.vector_load %arg4[%get3A_243, %get3A_244] {strides = array<i32>} : memref<8x128xi32, #tpu.memory_space<vmem>>, vector<1x16xi32>,
    %get3A_246 = vector.shape_cast %get3A_245 : vector<1x16xi32> to vector<16xi32>
    %add3A_247 = vector.broadcast %mul3A_99 : i32 to vector<16xi32>
    %add3A_248 = arith.addi %get3A_246, %add3A_247 : vector<16xi32>
    %swap3A_249 = arith.constant 1 : i32
    %swap3A_250 = arith.index_cast %swap3A_249 : i32 to index
    %swap3A_251 = arith.constant 48 : index
    %swap3A_252 = tpu.vector_load %arg4[%swap3A_250, %swap3A_251] {strides = array<i32>} : memref<8x128xi32, #tpu.memory_space<vmem>>, vector<1x16xi32>,
    %swap3A_253 = vector.shape_cast %swap3A_252 : vector<1x16xi32> to vector<16xi32>
    %swap3A_254 = vector.shape_cast %add3A_248 : vector<16xi32> to vector<1x16xi32>
    tpu.vector_store %arg4[%swap3A_250, %swap3A_251], %swap3A_254 {strides = array<i32>} : memref<8x128xi32, #tpu.memory_space<vmem>>, vector<1x16xi32>,
    %get3A_255 = arith.constant 1 : i32
    %get3A_256 = arith.index_cast %get3A_255 : i32 to index
    %get3A_257 = arith.constant 64 : index
    %get3A_258 = tpu.vector_load %arg4[%get3A_256, %get3A_257] {strides = array<i32>} : memref<8x128xi32, #tpu.memory_space<vmem>>, vector<1x16xi32>,
    %get3A_259 = vector.shape_cast %get3A_258 : vector<1x16xi32> to vector<16xi32>
    %add3A_260 = vector.broadcast %mul3A_99 : i32 to vector<16xi32>
    %add3A_261 = arith.addi %get3A_259, %add3A_260 : vector<16xi32>
    %swap3A_262 = arith.constant 1 : i32
    %swap3A_263 = arith.index_cast %swap3A_262 : i32 to index
    %swap3A_264 = arith.constant 64 : index
    %swap3A_265 = tpu.vector_load %arg4[%swap3A_263, %swap3A_264] {strides = array<i32>} : memref<8x128xi32, #tpu.memory_space<vmem>>, vector<1x16xi32>,
    %swap3A_266 = vector.shape_cast %swap3A_265 : vector<1x16xi32> to vector<16xi32>
    %swap3A_267 = vector.shape_cast %add3A_261 : vector<16xi32> to vector<1x16xi32>
    tpu.vector_store %arg4[%swap3A_263, %swap3A_264], %swap3A_267 {strides = array<i32>} : memref<8x128xi32, #tpu.memory_space<vmem>>, vector<1x16xi32>,
    %get3A_268 = arith.constant 1 : i32
    %get3A_269 = arith.index_cast %get3A_268 : i32 to index
    %get3A_270 = arith.constant 80 : index
    %get3A_271 = tpu.vector_load %arg4[%get3A_269, %get3A_270] {strides = array<i32>} : memref<8x128xi32, #tpu.memory_space<vmem>>, vector<1x16xi32>,
    %get3A_272 = vector.shape_cast %get3A_271 : vector<1x16xi32> to vector<16xi32>
    %add3A_273 = vector.broadcast %mul3A_99 : i32 to vector<16xi32>
    %add3A_274 = arith.addi %get3A_272, %add3A_273 : vector<16xi32>
    %swap3A_275 = arith.constant 1 : i32
    %swap3A_276 = arith.index_cast %swap3A_275 : i32 to index
    %swap3A_277 = arith.constant 80 : index
    %swap3A_278 = tpu.vector_load %arg4[%swap3A_276, %swap3A_277] {strides = array<i32>} : memref<8x128xi32, #tpu.memory_space<vmem>>, vector<1x16xi32>,
    %swap3A_279 = vector.shape_cast %swap3A_278 : vector<1x16xi32> to vector<16xi32>
    %swap3A_280 = vector.shape_cast %add3A_274 : vector<16xi32> to vector<1x16xi32>
    tpu.vector_store %arg4[%swap3A_276, %swap3A_277], %swap3A_280 {strides = array<i32>} : memref<8x128xi32, #tpu.memory_space<vmem>>, vector<1x16xi32>,
    %get3A_281 = arith.constant 1 : i32
    %get3A_282 = arith.index_cast %get3A_281 : i32 to index
    %get3A_283 = arith.constant 96 : index
    %get3A_284 = tpu.vector_load %arg4[%get3A_282, %get3A_283] {strides = array<i32>} : memref<8x128xi32, #tpu.memory_space<vmem>>, vector<1x16xi32>,
    %get3A_285 = vector.shape_cast %get3A_284 : vector<1x16xi32> to vector<16xi32>
    %add3A_286 = vector.broadcast %mul3A_99 : i32 to vector<16xi32>
    %add3A_287 = arith.addi %get3A_285, %add3A_286 : vector<16xi32>
    %swap3A_288 = arith.constant 1 : i32
    %swap3A_289 = arith.index_cast %swap3A_288 : i32 to index
    %swap3A_290 = arith.constant 96 : index
    %swap3A_291 = tpu.vector_load %arg4[%swap3A_289, %swap3A_290] {strides = array<i32>} : memref<8x128xi32, #tpu.memory_space<vmem>>, vector<1x16xi32>,
    %swap3A_292 = vector.shape_cast %swap3A_291 : vector<1x16xi32> to vector<16xi32>
    %swap3A_293 = vector.shape_cast %add3A_287 : vector<16xi32> to vector<1x16xi32>
    tpu.vector_store %arg4[%swap3A_289, %swap3A_290], %swap3A_293 {strides = array<i32>} : memref<8x128xi32, #tpu.memory_space<vmem>>, vector<1x16xi32>,
    %get3A_294 = arith.constant 1 : i32
    %get3A_295 = arith.index_cast %get3A_294 : i32 to index
    %get3A_296 = arith.constant 112 : index
    %get3A_297 = tpu.vector_load %arg4[%get3A_295, %get3A_296] {strides = array<i32>} : memref<8x128xi32, #tpu.memory_space<vmem>>, vector<1x16xi32>,
    %get3A_298 = vector.shape_cast %get3A_297 : vector<1x16xi32> to vector<16xi32>
    %add3A_299 = vector.broadcast %mul3A_99 : i32 to vector<16xi32>
    %add3A_300 = arith.addi %get3A_298, %add3A_299 : vector<16xi32>
    %swap3A_301 = arith.constant 1 : i32
    %swap3A_302 = arith.index_cast %swap3A_301 : i32 to index
    %swap3A_303 = arith.constant 112 : index
    %swap3A_304 = tpu.vector_load %arg4[%swap3A_302, %swap3A_303] {strides = array<i32>} : memref<8x128xi32, #tpu.memory_space<vmem>>, vector<1x16xi32>,
    %swap3A_305 = vector.shape_cast %swap3A_304 : vector<1x16xi32> to vector<16xi32>
    %swap3A_306 = vector.shape_cast %add3A_300 : vector<16xi32> to vector<1x16xi32>
    tpu.vector_store %arg4[%swap3A_302, %swap3A_303], %swap3A_306 {strides = array<i32>} : memref<8x128xi32, #tpu.memory_space<vmem>>, vector<1x16xi32>,
    %get3A_307 = arith.constant 2 : i32
    %get3A_308 = arith.index_cast %get3A_307 : i32 to index
    %get3A_309 = arith.constant 0 : index
    %get3A_310 = tpu.vector_load %arg4[%get3A_308, %get3A_309] {strides = array<i32>} : memref<8x128xi32, #tpu.memory_space<vmem>>, vector<1x16xi32>,
    %get3A_311 = vector.shape_cast %get3A_310 : vector<1x16xi32> to vector<16xi32>
    %add3A_312 = vector.broadcast %mul3A_99 : i32 to vector<16xi32>
    %add3A_313 = arith.addi %get3A_311, %add3A_312 : vector<16xi32>
    %swap3A_314 = arith.constant 2 : i32
    %swap3A_315 = arith.index_cast %swap3A_314 : i32 to index
    %swap3A_316 = arith.constant 0 : index
    %swap3A_317 = tpu.vector_load %arg4[%swap3A_315, %swap3A_316] {strides = array<i32>} : memref<8x128xi32, #tpu.memory_space<vmem>>, vector<1x16xi32>,
    %swap3A_318 = vector.shape_cast %swap3A_317 : vector<1x16xi32> to vector<16xi32>
    %swap3A_319 = vector.shape_cast %add3A_313 : vector<16xi32> to vector<1x16xi32>
    tpu.vector_store %arg4[%swap3A_315, %swap3A_316], %swap3A_319 {strides = array<i32>} : memref<8x128xi32, #tpu.memory_space<vmem>>, vector<1x16xi32>,
    %get3A_320 = arith.constant 2 : i32
    %get3A_321 = arith.index_cast %get3A_320 : i32 to index
    %get3A_322 = arith.constant 16 : index
    %get3A_323 = tpu.vector_load %arg4[%get3A_321, %get3A_322] {strides = array<i32>} : memref<8x128xi32, #tpu.memory_space<vmem>>, vector<1x16xi32>,
    %get3A_324 = vector.shape_cast %get3A_323 : vector<1x16xi32> to vector<16xi32>
    %add3A_325 = vector.broadcast %mul3A_99 : i32 to vector<16xi32>
    %add3A_326 = arith.addi %get3A_324, %add3A_325 : vector<16xi32>
    %swap3A_327 = arith.constant 2 : i32
    %swap3A_328 = arith.index_cast %swap3A_327 : i32 to index
    %swap3A_329 = arith.constant 16 : index
    %swap3A_330 = tpu.vector_load %arg4[%swap3A_328, %swap3A_329] {strides = array<i32>} : memref<8x128xi32, #tpu.memory_space<vmem>>, vector<1x16xi32>,
    %swap3A_331 = vector.shape_cast %swap3A_330 : vector<1x16xi32> to vector<16xi32>
    %swap3A_332 = vector.shape_cast %add3A_326 : vector<16xi32> to vector<1x16xi32>
    tpu.vector_store %arg4[%swap3A_328, %swap3A_329], %swap3A_332 {strides = array<i32>} : memref<8x128xi32, #tpu.memory_space<vmem>>, vector<1x16xi32>,
    %get3A_333 = arith.constant 2 : i32
    %get3A_334 = arith.index_cast %get3A_333 : i32 to index
    %get3A_335 = arith.constant 32 : index
    %get3A_336 = tpu.vector_load %arg4[%get3A_334, %get3A_335] {strides = array<i32>} : memref<8x128xi32, #tpu.memory_space<vmem>>, vector<1x16xi32>,
    %get3A_337 = vector.shape_cast %get3A_336 : vector<1x16xi32> to vector<16xi32>
    %add3A_338 = vector.broadcast %mul3A_99 : i32 to vector<16xi32>
    %add3A_339 = arith.addi %get3A_337, %add3A_338 : vector<16xi32>
    %swap3A_340 = arith.constant 2 : i32
    %swap3A_341 = arith.index_cast %swap3A_340 : i32 to index
    %swap3A_342 = arith.constant 32 : index
    %swap3A_343 = tpu.vector_load %arg4[%swap3A_341, %swap3A_342] {strides = array<i32>} : memref<8x128xi32, #tpu.memory_space<vmem>>, vector<1x16xi32>,
    %swap3A_344 = vector.shape_cast %swap3A_343 : vector<1x16xi32> to vector<16xi32>
    %swap3A_345 = vector.shape_cast %add3A_339 : vector<16xi32> to vector<1x16xi32>
    tpu.vector_store %arg4[%swap3A_341, %swap3A_342], %swap3A_345 {strides = array<i32>} : memref<8x128xi32, #tpu.memory_space<vmem>>, vector<1x16xi32>,
    %get3A_346 = arith.constant 2 : i32
    %get3A_347 = arith.index_cast %get3A_346 : i32 to index
    %get3A_348 = arith.constant 48 : index
    %get3A_349 = tpu.vector_load %arg4[%get3A_347, %get3A_348] {strides = array<i32>} : memref<8x128xi32, #tpu.memory_space<vmem>>, vector<1x16xi32>,
    %get3A_350 = vector.shape_cast %get3A_349 : vector<1x16xi32> to vector<16xi32>
    %add3A_351 = vector.broadcast %mul3A_99 : i32 to vector<16xi32>
    %add3A_352 = arith.addi %get3A_350, %add3A_351 : vector<16xi32>
    %swap3A_353 = arith.constant 2 : i32
    %swap3A_354 = arith.index_cast %swap3A_353 : i32 to index
    %swap3A_355 = arith.constant 48 : index
    %swap3A_356 = tpu.vector_load %arg4[%swap3A_354, %swap3A_355] {strides = array<i32>} : memref<8x128xi32, #tpu.memory_space<vmem>>, vector<1x16xi32>,
    %swap3A_357 = vector.shape_cast %swap3A_356 : vector<1x16xi32> to vector<16xi32>
    %swap3A_358 = vector.shape_cast %add3A_352 : vector<16xi32> to vector<1x16xi32>
    tpu.vector_store %arg4[%swap3A_354, %swap3A_355], %swap3A_358 {strides = array<i32>} : memref<8x128xi32, #tpu.memory_space<vmem>>, vector<1x16xi32>,
    %get3A_359 = arith.constant 2 : i32
    %get3A_360 = arith.index_cast %get3A_359 : i32 to index
    %get3A_361 = arith.constant 64 : index
    %get3A_362 = tpu.vector_load %arg4[%get3A_360, %get3A_361] {strides = array<i32>} : memref<8x128xi32, #tpu.memory_space<vmem>>, vector<1x16xi32>,
    %get3A_363 = vector.shape_cast %get3A_362 : vector<1x16xi32> to vector<16xi32>
    %add3A_364 = vector.broadcast %mul3A_99 : i32 to vector<16xi32>
    %add3A_365 = arith.addi %get3A_363, %add3A_364 : vector<16xi32>
    %swap3A_366 = arith.constant 2 : i32
    %swap3A_367 = arith.index_cast %swap3A_366 : i32 to index
    %swap3A_368 = arith.constant 64 : index
    %swap3A_369 = tpu.vector_load %arg4[%swap3A_367, %swap3A_368] {strides = array<i32>} : memref<8x128xi32, #tpu.memory_space<vmem>>, vector<1x16xi32>,
    %swap3A_370 = vector.shape_cast %swap3A_369 : vector<1x16xi32> to vector<16xi32>
    %swap3A_371 = vector.shape_cast %add3A_365 : vector<16xi32> to vector<1x16xi32>
    tpu.vector_store %arg4[%swap3A_367, %swap3A_368], %swap3A_371 {strides = array<i32>} : memref<8x128xi32, #tpu.memory_space<vmem>>, vector<1x16xi32>,
    %get3A_372 = arith.constant 2 : i32
    %get3A_373 = arith.index_cast %get3A_372 : i32 to index
    %get3A_374 = arith.constant 80 : index
    %get3A_375 = tpu.vector_load %arg4[%get3A_373, %get3A_374] {strides = array<i32>} : memref<8x128xi32, #tpu.memory_space<vmem>>, vector<1x16xi32>,
    %get3A_376 = vector.shape_cast %get3A_375 : vector<1x16xi32> to vector<16xi32>
    %add3A_377 = vector.broadcast %mul3A_99 : i32 to vector<16xi32>
    %add3A_378 = arith.addi %get3A_376, %add3A_377 : vector<16xi32>
    %swap3A_379 = arith.constant 2 : i32
    %swap3A_380 = arith.index_cast %swap3A_379 : i32 to index
    %swap3A_381 = arith.constant 80 : index
    %swap3A_382 = tpu.vector_load %arg4[%swap3A_380, %swap3A_381] {strides = array<i32>} : memref<8x128xi32, #tpu.memory_space<vmem>>, vector<1x16xi32>,
    %swap3A_383 = vector.shape_cast %swap3A_382 : vector<1x16xi32> to vector<16xi32>
    %swap3A_384 = vector.shape_cast %add3A_378 : vector<16xi32> to vector<1x16xi32>
    tpu.vector_store %arg4[%swap3A_380, %swap3A_381], %swap3A_384 {strides = array<i32>} : memref<8x128xi32, #tpu.memory_space<vmem>>, vector<1x16xi32>,
    %get3A_385 = arith.constant 2 : i32
    %get3A_386 = arith.index_cast %get3A_385 : i32 to index
    %get3A_387 = arith.constant 96 : index
    %get3A_388 = tpu.vector_load %arg4[%get3A_386, %get3A_387] {strides = array<i32>} : memref<8x128xi32, #tpu.memory_space<vmem>>, vector<1x16xi32>,
    %get3A_389 = vector.shape_cast %get3A_388 : vector<1x16xi32> to vector<16xi32>
    %add3A_390 = vector.broadcast %mul3A_99 : i32 to vector<16xi32>
    %add3A_391 = arith.addi %get3A_389, %add3A_390 : vector<16xi32>
    %swap3A_392 = arith.constant 2 : i32
    %swap3A_393 = arith.index_cast %swap3A_392 : i32 to index
    %swap3A_394 = arith.constant 96 : index
    %swap3A_395 = tpu.vector_load %arg4[%swap3A_393, %swap3A_394] {strides = array<i32>} : memref<8x128xi32, #tpu.memory_space<vmem>>, vector<1x16xi32>,
    %swap3A_396 = vector.shape_cast %swap3A_395 : vector<1x16xi32> to vector<16xi32>
    %swap3A_397 = vector.shape_cast %add3A_391 : vector<16xi32> to vector<1x16xi32>
    tpu.vector_store %arg4[%swap3A_393, %swap3A_394], %swap3A_397 {strides = array<i32>} : memref<8x128xi32, #tpu.memory_space<vmem>>, vector<1x16xi32>,
    %get3A_398 = arith.constant 2 : i32
    %get3A_399 = arith.index_cast %get3A_398 : i32 to index
    %get3A_400 = arith.constant 112 : index
    %get3A_401 = tpu.vector_load %arg4[%get3A_399, %get3A_400] {strides = array<i32>} : memref<8x128xi32, #tpu.memory_space<vmem>>, vector<1x16xi32>,
    %get3A_402 = vector.shape_cast %get3A_401 : vector<1x16xi32> to vector<16xi32>
    %add3A_403 = vector.broadcast %mul3A_99 : i32 to vector<16xi32>
    %add3A_404 = arith.addi %get3A_402, %add3A_403 : vector<16xi32>
    %swap3A_405 = arith.constant 2 : i32
    %swap3A_406 = arith.index_cast %swap3A_405 : i32 to index
    %swap3A_407 = arith.constant 112 : index
    %swap3A_408 = tpu.vector_load %arg4[%swap3A_406, %swap3A_407] {strides = array<i32>} : memref<8x128xi32, #tpu.memory_space<vmem>>, vector<1x16xi32>,
    %swap3A_409 = vector.shape_cast %swap3A_408 : vector<1x16xi32> to vector<16xi32>
    %swap3A_410 = vector.shape_cast %add3A_404 : vector<16xi32> to vector<1x16xi32>
    tpu.vector_store %arg4[%swap3A_406, %swap3A_407], %swap3A_410 {strides = array<i32>} : memref<8x128xi32, #tpu.memory_space<vmem>>, vector<1x16xi32>,
    %get3A_411 = arith.constant 3 : i32
    %get3A_412 = arith.index_cast %get3A_411 : i32 to index
    %get3A_413 = arith.constant 0 : index
    %get3A_414 = tpu.vector_load %arg4[%get3A_412, %get3A_413] {strides = array<i32>} : memref<8x128xi32, #tpu.memory_space<vmem>>, vector<1x16xi32>,
    %get3A_415 = vector.shape_cast %get3A_414 : vector<1x16xi32> to vector<16xi32>
    %add3A_416 = vector.broadcast %mul3A_99 : i32 to vector<16xi32>
    %add3A_417 = arith.addi %get3A_415, %add3A_416 : vector<16xi32>
    %swap3A_418 = arith.constant 3 : i32
    %swap3A_419 = arith.index_cast %swap3A_418 : i32 to index
    %swap3A_420 = arith.constant 0 : index
    %swap3A_421 = tpu.vector_load %arg4[%swap3A_419, %swap3A_420] {strides = array<i32>} : memref<8x128xi32, #tpu.memory_space<vmem>>, vector<1x16xi32>,
    %swap3A_422 = vector.shape_cast %swap3A_421 : vector<1x16xi32> to vector<16xi32>
    %swap3A_423 = vector.shape_cast %add3A_417 : vector<16xi32> to vector<1x16xi32>
    tpu.vector_store %arg4[%swap3A_419, %swap3A_420], %swap3A_423 {strides = array<i32>} : memref<8x128xi32, #tpu.memory_space<vmem>>, vector<1x16xi32>,
    %get3A_424 = arith.constant 3 : i32
    %get3A_425 = arith.index_cast %get3A_424 : i32 to index
    %get3A_426 = arith.constant 16 : index
    %get3A_427 = tpu.vector_load %arg4[%get3A_425, %get3A_426] {strides = array<i32>} : memref<8x128xi32, #tpu.memory_space<vmem>>, vector<1x16xi32>,
    %get3A_428 = vector.shape_cast %get3A_427 : vector<1x16xi32> to vector<16xi32>
    %add3A_429 = vector.broadcast %mul3A_99 : i32 to vector<16xi32>
    %add3A_430 = arith.addi %get3A_428, %add3A_429 : vector<16xi32>
    %swap3A_431 = arith.constant 3 : i32
    %swap3A_432 = arith.index_cast %swap3A_431 : i32 to index
    %swap3A_433 = arith.constant 16 : index
    %swap3A_434 = tpu.vector_load %arg4[%swap3A_432, %swap3A_433] {strides = array<i32>} : memref<8x128xi32, #tpu.memory_space<vmem>>, vector<1x16xi32>,
    %swap3A_435 = vector.shape_cast %swap3A_434 : vector<1x16xi32> to vector<16xi32>
    %swap3A_436 = vector.shape_cast %add3A_430 : vector<16xi32> to vector<1x16xi32>
    tpu.vector_store %arg4[%swap3A_432, %swap3A_433], %swap3A_436 {strides = array<i32>} : memref<8x128xi32, #tpu.memory_space<vmem>>, vector<1x16xi32>,
    %get3A_437 = arith.constant 3 : i32
    %get3A_438 = arith.index_cast %get3A_437 : i32 to index
    %get3A_439 = arith.constant 32 : index
    %get3A_440 = tpu.vector_load %arg4[%get3A_438, %get3A_439] {strides = array<i32>} : memref<8x128xi32, #tpu.memory_space<vmem>>, vector<1x16xi32>,
    %get3A_441 = vector.shape_cast %get3A_440 : vector<1x16xi32> to vector<16xi32>
    %add3A_442 = vector.broadcast %mul3A_99 : i32 to vector<16xi32>
    %add3A_443 = arith.addi %get3A_441, %add3A_442 : vector<16xi32>
    %swap3A_444 = arith.constant 3 : i32
    %swap3A_445 = arith.index_cast %swap3A_444 : i32 to index
    %swap3A_446 = arith.constant 32 : index
    %swap3A_447 = tpu.vector_load %arg4[%swap3A_445, %swap3A_446] {strides = array<i32>} : memref<8x128xi32, #tpu.memory_space<vmem>>, vector<1x16xi32>,
    %swap3A_448 = vector.shape_cast %swap3A_447 : vector<1x16xi32> to vector<16xi32>
    %swap3A_449 = vector.shape_cast %add3A_443 : vector<16xi32> to vector<1x16xi32>
    tpu.vector_store %arg4[%swap3A_445, %swap3A_446], %swap3A_449 {strides = array<i32>} : memref<8x128xi32, #tpu.memory_space<vmem>>, vector<1x16xi32>,
    %get3A_450 = arith.constant 3 : i32
    %get3A_451 = arith.index_cast %get3A_450 : i32 to index
    %get3A_452 = arith.constant 48 : index
    %get3A_453 = tpu.vector_load %arg4[%get3A_451, %get3A_452] {strides = array<i32>} : memref<8x128xi32, #tpu.memory_space<vmem>>, vector<1x16xi32>,
    %get3A_454 = vector.shape_cast %get3A_453 : vector<1x16xi32> to vector<16xi32>
    %add3A_455 = vector.broadcast %mul3A_99 : i32 to vector<16xi32>
    %add3A_456 = arith.addi %get3A_454, %add3A_455 : vector<16xi32>
    %swap3A_457 = arith.constant 3 : i32
    %swap3A_458 = arith.index_cast %swap3A_457 : i32 to index
    %swap3A_459 = arith.constant 48 : index
    %swap3A_460 = tpu.vector_load %arg4[%swap3A_458, %swap3A_459] {strides = array<i32>} : memref<8x128xi32, #tpu.memory_space<vmem>>, vector<1x16xi32>,
    %swap3A_461 = vector.shape_cast %swap3A_460 : vector<1x16xi32> to vector<16xi32>
    %swap3A_462 = vector.shape_cast %add3A_456 : vector<16xi32> to vector<1x16xi32>
    tpu.vector_store %arg4[%swap3A_458, %swap3A_459], %swap3A_462 {strides = array<i32>} : memref<8x128xi32, #tpu.memory_space<vmem>>, vector<1x16xi32>,
    %get3A_463 = arith.constant 3 : i32
    %get3A_464 = arith.index_cast %get3A_463 : i32 to index
    %get3A_465 = arith.constant 64 : index
    %get3A_466 = tpu.vector_load %arg4[%get3A_464, %get3A_465] {strides = array<i32>} : memref<8x128xi32, #tpu.memory_space<vmem>>, vector<1x16xi32>,
    %get3A_467 = vector.shape_cast %get3A_466 : vector<1x16xi32> to vector<16xi32>
    %add3A_468 = vector.broadcast %mul3A_99 : i32 to vector<16xi32>
    %add3A_469 = arith.addi %get3A_467, %add3A_468 : vector<16xi32>
    %swap3A_470 = arith.constant 3 : i32
    %swap3A_471 = arith.index_cast %swap3A_470 : i32 to index
    %swap3A_472 = arith.constant 64 : index
    %swap3A_473 = tpu.vector_load %arg4[%swap3A_471, %swap3A_472] {strides = array<i32>} : memref<8x128xi32, #tpu.memory_space<vmem>>, vector<1x16xi32>,
    %swap3A_474 = vector.shape_cast %swap3A_473 : vector<1x16xi32> to vector<16xi32>
    %swap3A_475 = vector.shape_cast %add3A_469 : vector<16xi32> to vector<1x16xi32>
    tpu.vector_store %arg4[%swap3A_471, %swap3A_472], %swap3A_475 {strides = array<i32>} : memref<8x128xi32, #tpu.memory_space<vmem>>, vector<1x16xi32>,
    %get3A_476 = arith.constant 3 : i32
    %get3A_477 = arith.index_cast %get3A_476 : i32 to index
    %get3A_478 = arith.constant 80 : index
    %get3A_479 = tpu.vector_load %arg4[%get3A_477, %get3A_478] {strides = array<i32>} : memref<8x128xi32, #tpu.memory_space<vmem>>, vector<1x16xi32>,
    %get3A_480 = vector.shape_cast %get3A_479 : vector<1x16xi32> to vector<16xi32>
    %add3A_481 = vector.broadcast %mul3A_99 : i32 to vector<16xi32>
    %add3A_482 = arith.addi %get3A_480, %add3A_481 : vector<16xi32>
    %swap3A_483 = arith.constant 3 : i32
    %swap3A_484 = arith.index_cast %swap3A_483 : i32 to index
    %swap3A_485 = arith.constant 80 : index
    %swap3A_486 = tpu.vector_load %arg4[%swap3A_484, %swap3A_485] {strides = array<i32>} : memref<8x128xi32, #tpu.memory_space<vmem>>, vector<1x16xi32>,
    %swap3A_487 = vector.shape_cast %swap3A_486 : vector<1x16xi32> to vector<16xi32>
    %swap3A_488 = vector.shape_cast %add3A_482 : vector<16xi32> to vector<1x16xi32>
    tpu.vector_store %arg4[%swap3A_484, %swap3A_485], %swap3A_488 {strides = array<i32>} : memref<8x128xi32, #tpu.memory_space<vmem>>, vector<1x16xi32>,
    %get3A_489 = arith.constant 3 : i32
    %get3A_490 = arith.index_cast %get3A_489 : i32 to index
    %get3A_491 = arith.constant 96 : index
    %get3A_492 = tpu.vector_load %arg4[%get3A_490, %get3A_491] {strides = array<i32>} : memref<8x128xi32, #tpu.memory_space<vmem>>, vector<1x16xi32>,
    %get3A_493 = vector.shape_cast %get3A_492 : vector<1x16xi32> to vector<16xi32>
    %add3A_494 = vector.broadcast %mul3A_99 : i32 to vector<16xi32>
    %add3A_495 = arith.addi %get3A_493, %add3A_494 : vector<16xi32>
    %swap3A_496 = arith.constant 3 : i32
    %swap3A_497 = arith.index_cast %swap3A_496 : i32 to index
    %swap3A_498 = arith.constant 96 : index
    %swap3A_499 = tpu.vector_load %arg4[%swap3A_497, %swap3A_498] {strides = array<i32>} : memref<8x128xi32, #tpu.memory_space<vmem>>, vector<1x16xi32>,
    %swap3A_500 = vector.shape_cast %swap3A_499 : vector<1x16xi32> to vector<16xi32>
    %swap3A_501 = vector.shape_cast %add3A_495 : vector<16xi32> to vector<1x16xi32>
    tpu.vector_store %arg4[%swap3A_497, %swap3A_498], %swap3A_501 {strides = array<i32>} : memref<8x128xi32, #tpu.memory_space<vmem>>, vector<1x16xi32>,
    %get3A_502 = arith.constant 3 : i32
    %get3A_503 = arith.index_cast %get3A_502 : i32 to index
    %get3A_504 = arith.constant 112 : index
    %get3A_505 = tpu.vector_load %arg4[%get3A_503, %get3A_504] {strides = array<i32>} : memref<8x128xi32, #tpu.memory_space<vmem>>, vector<1x16xi32>,
    %get3A_506 = vector.shape_cast %get3A_505 : vector<1x16xi32> to vector<16xi32>
    %add3A_507 = vector.broadcast %mul3A_99 : i32 to vector<16xi32>
    %add3A_508 = arith.addi %get3A_506, %add3A_507 : vector<16xi32>
    %swap3A_509 = arith.constant 3 : i32
    %swap3A_510 = arith.index_cast %swap3A_509 : i32 to index
    %swap3A_511 = arith.constant 112 : index
    %swap3A_512 = tpu.vector_load %arg4[%swap3A_510, %swap3A_511] {strides = array<i32>} : memref<8x128xi32, #tpu.memory_space<vmem>>, vector<1x16xi32>,
    %swap3A_513 = vector.shape_cast %swap3A_512 : vector<1x16xi32> to vector<16xi32>
    %swap3A_514 = vector.shape_cast %add3A_508 : vector<16xi32> to vector<1x16xi32>
    tpu.vector_store %arg4[%swap3A_510, %swap3A_511], %swap3A_514 {strides = array<i32>} : memref<8x128xi32, #tpu.memory_space<vmem>>, vector<1x16xi32>,
    %get3A_515 = arith.constant 4 : i32
    %get3A_516 = arith.index_cast %get3A_515 : i32 to index
    %get3A_517 = arith.constant 0 : index
    %get3A_518 = tpu.vector_load %arg4[%get3A_516, %get3A_517] {strides = array<i32>} : memref<8x128xi32, #tpu.memory_space<vmem>>, vector<1x16xi32>,
    %get3A_519 = vector.shape_cast %get3A_518 : vector<1x16xi32> to vector<16xi32>
    %add3A_520 = vector.broadcast %mul3A_99 : i32 to vector<16xi32>
    %add3A_521 = arith.addi %get3A_519, %add3A_520 : vector<16xi32>
    %swap3A_522 = arith.constant 4 : i32
    %swap3A_523 = arith.index_cast %swap3A_522 : i32 to index
    %swap3A_524 = arith.constant 0 : index
    %swap3A_525 = tpu.vector_load %arg4[%swap3A_523, %swap3A_524] {strides = array<i32>} : memref<8x128xi32, #tpu.memory_space<vmem>>, vector<1x16xi32>,
    %swap3A_526 = vector.shape_cast %swap3A_525 : vector<1x16xi32> to vector<16xi32>
    %swap3A_527 = vector.shape_cast %add3A_521 : vector<16xi32> to vector<1x16xi32>
    tpu.vector_store %arg4[%swap3A_523, %swap3A_524], %swap3A_527 {strides = array<i32>} : memref<8x128xi32, #tpu.memory_space<vmem>>, vector<1x16xi32>,
    %get3A_528 = arith.constant 4 : i32
    %get3A_529 = arith.index_cast %get3A_528 : i32 to index
    %get3A_530 = arith.constant 16 : index
    %get3A_531 = tpu.vector_load %arg4[%get3A_529, %get3A_530] {strides = array<i32>} : memref<8x128xi32, #tpu.memory_space<vmem>>, vector<1x16xi32>,
    %get3A_532 = vector.shape_cast %get3A_531 : vector<1x16xi32> to vector<16xi32>
    %add3A_533 = vector.broadcast %mul3A_99 : i32 to vector<16xi32>
    %add3A_534 = arith.addi %get3A_532, %add3A_533 : vector<16xi32>
    %swap3A_535 = arith.constant 4 : i32
    %swap3A_536 = arith.index_cast %swap3A_535 : i32 to index
    %swap3A_537 = arith.constant 16 : index
    %swap3A_538 = tpu.vector_load %arg4[%swap3A_536, %swap3A_537] {strides = array<i32>} : memref<8x128xi32, #tpu.memory_space<vmem>>, vector<1x16xi32>,
    %swap3A_539 = vector.shape_cast %swap3A_538 : vector<1x16xi32> to vector<16xi32>
    %swap3A_540 = vector.shape_cast %add3A_534 : vector<16xi32> to vector<1x16xi32>
    tpu.vector_store %arg4[%swap3A_536, %swap3A_537], %swap3A_540 {strides = array<i32>} : memref<8x128xi32, #tpu.memory_space<vmem>>, vector<1x16xi32>,
    %get3A_541 = arith.constant 4 : i32
    %get3A_542 = arith.index_cast %get3A_541 : i32 to index
    %get3A_543 = arith.constant 32 : index
    %get3A_544 = tpu.vector_load %arg4[%get3A_542, %get3A_543] {strides = array<i32>} : memref<8x128xi32, #tpu.memory_space<vmem>>, vector<1x16xi32>,
    %get3A_545 = vector.shape_cast %get3A_544 : vector<1x16xi32> to vector<16xi32>
    %add3A_546 = vector.broadcast %mul3A_99 : i32 to vector<16xi32>
    %add3A_547 = arith.addi %get3A_545, %add3A_546 : vector<16xi32>
    %swap3A_548 = arith.constant 4 : i32
    %swap3A_549 = arith.index_cast %swap3A_548 : i32 to index
    %swap3A_550 = arith.constant 32 : index
    %swap3A_551 = tpu.vector_load %arg4[%swap3A_549, %swap3A_550] {strides = array<i32>} : memref<8x128xi32, #tpu.memory_space<vmem>>, vector<1x16xi32>,
    %swap3A_552 = vector.shape_cast %swap3A_551 : vector<1x16xi32> to vector<16xi32>
    %swap3A_553 = vector.shape_cast %add3A_547 : vector<16xi32> to vector<1x16xi32>
    tpu.vector_store %arg4[%swap3A_549, %swap3A_550], %swap3A_553 {strides = array<i32>} : memref<8x128xi32, #tpu.memory_space<vmem>>, vector<1x16xi32>,
    %get3A_554 = arith.constant 4 : i32
    %get3A_555 = arith.index_cast %get3A_554 : i32 to index
    %get3A_556 = arith.constant 48 : index
    %get3A_557 = tpu.vector_load %arg4[%get3A_555, %get3A_556] {strides = array<i32>} : memref<8x128xi32, #tpu.memory_space<vmem>>, vector<1x16xi32>,
    %get3A_558 = vector.shape_cast %get3A_557 : vector<1x16xi32> to vector<16xi32>
    %add3A_559 = vector.broadcast %mul3A_99 : i32 to vector<16xi32>
    %add3A_560 = arith.addi %get3A_558, %add3A_559 : vector<16xi32>
    %swap3A_561 = arith.constant 4 : i32
    %swap3A_562 = arith.index_cast %swap3A_561 : i32 to index
    %swap3A_563 = arith.constant 48 : index
    %swap3A_564 = tpu.vector_load %arg4[%swap3A_562, %swap3A_563] {strides = array<i32>} : memref<8x128xi32, #tpu.memory_space<vmem>>, vector<1x16xi32>,
    %swap3A_565 = vector.shape_cast %swap3A_564 : vector<1x16xi32> to vector<16xi32>
    %swap3A_566 = vector.shape_cast %add3A_560 : vector<16xi32> to vector<1x16xi32>
    tpu.vector_store %arg4[%swap3A_562, %swap3A_563], %swap3A_566 {strides = array<i32>} : memref<8x128xi32, #tpu.memory_space<vmem>>, vector<1x16xi32>,
    %get3A_567 = arith.constant 4 : i32
    %get3A_568 = arith.index_cast %get3A_567 : i32 to index
    %get3A_569 = arith.constant 64 : index
    %get3A_570 = tpu.vector_load %arg4[%get3A_568, %get3A_569] {strides = array<i32>} : memref<8x128xi32, #tpu.memory_space<vmem>>, vector<1x16xi32>,
    %get3A_571 = vector.shape_cast %get3A_570 : vector<1x16xi32> to vector<16xi32>
    %add3A_572 = vector.broadcast %mul3A_99 : i32 to vector<16xi32>
    %add3A_573 = arith.addi %get3A_571, %add3A_572 : vector<16xi32>
    %swap3A_574 = arith.constant 4 : i32
    %swap3A_575 = arith.index_cast %swap3A_574 : i32 to index
    %swap3A_576 = arith.constant 64 : index
    %swap3A_577 = tpu.vector_load %arg4[%swap3A_575, %swap3A_576] {strides = array<i32>} : memref<8x128xi32, #tpu.memory_space<vmem>>, vector<1x16xi32>,
    %swap3A_578 = vector.shape_cast %swap3A_577 : vector<1x16xi32> to vector<16xi32>
    %swap3A_579 = vector.shape_cast %add3A_573 : vector<16xi32> to vector<1x16xi32>
    tpu.vector_store %arg4[%swap3A_575, %swap3A_576], %swap3A_579 {strides = array<i32>} : memref<8x128xi32, #tpu.memory_space<vmem>>, vector<1x16xi32>,
    %get3A_580 = arith.constant 4 : i32
    %get3A_581 = arith.index_cast %get3A_580 : i32 to index
    %get3A_582 = arith.constant 80 : index
    %get3A_583 = tpu.vector_load %arg4[%get3A_581, %get3A_582] {strides = array<i32>} : memref<8x128xi32, #tpu.memory_space<vmem>>, vector<1x16xi32>,
    %get3A_584 = vector.shape_cast %get3A_583 : vector<1x16xi32> to vector<16xi32>
    %add3A_585 = vector.broadcast %mul3A_99 : i32 to vector<16xi32>
    %add3A_586 = arith.addi %get3A_584, %add3A_585 : vector<16xi32>
    %swap3A_587 = arith.constant 4 : i32
    %swap3A_588 = arith.index_cast %swap3A_587 : i32 to index
    %swap3A_589 = arith.constant 80 : index
    %swap3A_590 = tpu.vector_load %arg4[%swap3A_588, %swap3A_589] {strides = array<i32>} : memref<8x128xi32, #tpu.memory_space<vmem>>, vector<1x16xi32>,
    %swap3A_591 = vector.shape_cast %swap3A_590 : vector<1x16xi32> to vector<16xi32>
    %swap3A_592 = vector.shape_cast %add3A_586 : vector<16xi32> to vector<1x16xi32>
    tpu.vector_store %arg4[%swap3A_588, %swap3A_589], %swap3A_592 {strides = array<i32>} : memref<8x128xi32, #tpu.memory_space<vmem>>, vector<1x16xi32>,
    %get3A_593 = arith.constant 4 : i32
    %get3A_594 = arith.index_cast %get3A_593 : i32 to index
    %get3A_595 = arith.constant 96 : index
    %get3A_596 = tpu.vector_load %arg4[%get3A_594, %get3A_595] {strides = array<i32>} : memref<8x128xi32, #tpu.memory_space<vmem>>, vector<1x16xi32>,
    %get3A_597 = vector.shape_cast %get3A_596 : vector<1x16xi32> to vector<16xi32>
    %add3A_598 = vector.broadcast %mul3A_99 : i32 to vector<16xi32>
    %add3A_599 = arith.addi %get3A_597, %add3A_598 : vector<16xi32>
    %swap3A_600 = arith.constant 4 : i32
    %swap3A_601 = arith.index_cast %swap3A_600 : i32 to index
    %swap3A_602 = arith.constant 96 : index
    %swap3A_603 = tpu.vector_load %arg4[%swap3A_601, %swap3A_602] {strides = array<i32>} : memref<8x128xi32, #tpu.memory_space<vmem>>, vector<1x16xi32>,
    %swap3A_604 = vector.shape_cast %swap3A_603 : vector<1x16xi32> to vector<16xi32>
    %swap3A_605 = vector.shape_cast %add3A_599 : vector<16xi32> to vector<1x16xi32>
    tpu.vector_store %arg4[%swap3A_601, %swap3A_602], %swap3A_605 {strides = array<i32>} : memref<8x128xi32, #tpu.memory_space<vmem>>, vector<1x16xi32>,
    %get3A_606 = arith.constant 4 : i32
    %get3A_607 = arith.index_cast %get3A_606 : i32 to index
    %get3A_608 = arith.constant 112 : index
    %get3A_609 = tpu.vector_load %arg4[%get3A_607, %get3A_608] {strides = array<i32>} : memref<8x128xi32, #tpu.memory_space<vmem>>, vector<1x16xi32>,
    %get3A_610 = vector.shape_cast %get3A_609 : vector<1x16xi32> to vector<16xi32>
    %add3A_611 = vector.broadcast %mul3A_99 : i32 to vector<16xi32>
    %add3A_612 = arith.addi %get3A_610, %add3A_611 : vector<16xi32>
    %swap3A_613 = arith.constant 4 : i32
    %swap3A_614 = arith.index_cast %swap3A_613 : i32 to index
    %swap3A_615 = arith.constant 112 : index
    %swap3A_616 = tpu.vector_load %arg4[%swap3A_614, %swap3A_615] {strides = array<i32>} : memref<8x128xi32, #tpu.memory_space<vmem>>, vector<1x16xi32>,
    %swap3A_617 = vector.shape_cast %swap3A_616 : vector<1x16xi32> to vector<16xi32>
    %swap3A_618 = vector.shape_cast %add3A_612 : vector<16xi32> to vector<1x16xi32>
    tpu.vector_store %arg4[%swap3A_614, %swap3A_615], %swap3A_618 {strides = array<i32>} : memref<8x128xi32, #tpu.memory_space<vmem>>, vector<1x16xi32>,
    %get3A_619 = arith.constant 5 : i32
    %get3A_620 = arith.index_cast %get3A_619 : i32 to index
    %get3A_621 = arith.constant 0 : index
    %get3A_622 = tpu.vector_load %arg4[%get3A_620, %get3A_621] {strides = array<i32>} : memref<8x128xi32, #tpu.memory_space<vmem>>, vector<1x16xi32>,
    %get3A_623 = vector.shape_cast %get3A_622 : vector<1x16xi32> to vector<16xi32>
    %add3A_624 = vector.broadcast %mul3A_99 : i32 to vector<16xi32>
    %add3A_625 = arith.addi %get3A_623, %add3A_624 : vector<16xi32>
    %swap3A_626 = arith.constant 5 : i32
    %swap3A_627 = arith.index_cast %swap3A_626 : i32 to index
    %swap3A_628 = arith.constant 0 : index
    %swap3A_629 = tpu.vector_load %arg4[%swap3A_627, %swap3A_628] {strides = array<i32>} : memref<8x128xi32, #tpu.memory_space<vmem>>, vector<1x16xi32>,
    %swap3A_630 = vector.shape_cast %swap3A_629 : vector<1x16xi32> to vector<16xi32>
    %swap3A_631 = vector.shape_cast %add3A_625 : vector<16xi32> to vector<1x16xi32>
    tpu.vector_store %arg4[%swap3A_627, %swap3A_628], %swap3A_631 {strides = array<i32>} : memref<8x128xi32, #tpu.memory_space<vmem>>, vector<1x16xi32>,
    %get3A_632 = arith.constant 5 : i32
    %get3A_633 = arith.index_cast %get3A_632 : i32 to index
    %get3A_634 = arith.constant 16 : index
    %get3A_635 = tpu.vector_load %arg4[%get3A_633, %get3A_634] {strides = array<i32>} : memref<8x128xi32, #tpu.memory_space<vmem>>, vector<1x16xi32>,
    %get3A_636 = vector.shape_cast %get3A_635 : vector<1x16xi32> to vector<16xi32>
    %add3A_637 = vector.broadcast %mul3A_99 : i32 to vector<16xi32>
    %add3A_638 = arith.addi %get3A_636, %add3A_637 : vector<16xi32>
    %swap3A_639 = arith.constant 5 : i32
    %swap3A_640 = arith.index_cast %swap3A_639 : i32 to index
    %swap3A_641 = arith.constant 16 : index
    %swap3A_642 = tpu.vector_load %arg4[%swap3A_640, %swap3A_641] {strides = array<i32>} : memref<8x128xi32, #tpu.memory_space<vmem>>, vector<1x16xi32>,
    %swap3A_643 = vector.shape_cast %swap3A_642 : vector<1x16xi32> to vector<16xi32>
    %swap3A_644 = vector.shape_cast %add3A_638 : vector<16xi32> to vector<1x16xi32>
    tpu.vector_store %arg4[%swap3A_640, %swap3A_641], %swap3A_644 {strides = array<i32>} : memref<8x128xi32, #tpu.memory_space<vmem>>, vector<1x16xi32>,
    %get3A_645 = arith.constant 5 : i32
    %get3A_646 = arith.index_cast %get3A_645 : i32 to index
    %get3A_647 = arith.constant 32 : index
    %get3A_648 = tpu.vector_load %arg4[%get3A_646, %get3A_647] {strides = array<i32>} : memref<8x128xi32, #tpu.memory_space<vmem>>, vector<1x16xi32>,
    %get3A_649 = vector.shape_cast %get3A_648 : vector<1x16xi32> to vector<16xi32>
    %add3A_650 = vector.broadcast %mul3A_99 : i32 to vector<16xi32>
    %add3A_651 = arith.addi %get3A_649, %add3A_650 : vector<16xi32>
    %swap3A_652 = arith.constant 5 : i32
    %swap3A_653 = arith.index_cast %swap3A_652 : i32 to index
    %swap3A_654 = arith.constant 32 : index
    %swap3A_655 = tpu.vector_load %arg4[%swap3A_653, %swap3A_654] {strides = array<i32>} : memref<8x128xi32, #tpu.memory_space<vmem>>, vector<1x16xi32>,
    %swap3A_656 = vector.shape_cast %swap3A_655 : vector<1x16xi32> to vector<16xi32>
    %swap3A_657 = vector.shape_cast %add3A_651 : vector<16xi32> to vector<1x16xi32>
    tpu.vector_store %arg4[%swap3A_653, %swap3A_654], %swap3A_657 {strides = array<i32>} : memref<8x128xi32, #tpu.memory_space<vmem>>, vector<1x16xi32>,
    %get3A_658 = arith.constant 5 : i32
    %get3A_659 = arith.index_cast %get3A_658 : i32 to index
    %get3A_660 = arith.constant 48 : index
    %get3A_661 = tpu.vector_load %arg4[%get3A_659, %get3A_660] {strides = array<i32>} : memref<8x128xi32, #tpu.memory_space<vmem>>, vector<1x16xi32>,
    %get3A_662 = vector.shape_cast %get3A_661 : vector<1x16xi32> to vector<16xi32>
    %add3A_663 = vector.broadcast %mul3A_99 : i32 to vector<16xi32>
    %add3A_664 = arith.addi %get3A_662, %add3A_663 : vector<16xi32>
    %swap3A_665 = arith.constant 5 : i32
    %swap3A_666 = arith.index_cast %swap3A_665 : i32 to index
    %swap3A_667 = arith.constant 48 : index
    %swap3A_668 = tpu.vector_load %arg4[%swap3A_666, %swap3A_667] {strides = array<i32>} : memref<8x128xi32, #tpu.memory_space<vmem>>, vector<1x16xi32>,
    %swap3A_669 = vector.shape_cast %swap3A_668 : vector<1x16xi32> to vector<16xi32>
    %swap3A_670 = vector.shape_cast %add3A_664 : vector<16xi32> to vector<1x16xi32>
    tpu.vector_store %arg4[%swap3A_666, %swap3A_667], %swap3A_670 {strides = array<i32>} : memref<8x128xi32, #tpu.memory_space<vmem>>, vector<1x16xi32>,
    %get3A_671 = arith.constant 5 : i32
    %get3A_672 = arith.index_cast %get3A_671 : i32 to index
    %get3A_673 = arith.constant 64 : index
    %get3A_674 = tpu.vector_load %arg4[%get3A_672, %get3A_673] {strides = array<i32>} : memref<8x128xi32, #tpu.memory_space<vmem>>, vector<1x16xi32>,
    %get3A_675 = vector.shape_cast %get3A_674 : vector<1x16xi32> to vector<16xi32>
    %add3A_676 = vector.broadcast %mul3A_99 : i32 to vector<16xi32>
    %add3A_677 = arith.addi %get3A_675, %add3A_676 : vector<16xi32>
    %swap3A_678 = arith.constant 5 : i32
    %swap3A_679 = arith.index_cast %swap3A_678 : i32 to index
    %swap3A_680 = arith.constant 64 : index
    %swap3A_681 = tpu.vector_load %arg4[%swap3A_679, %swap3A_680] {strides = array<i32>} : memref<8x128xi32, #tpu.memory_space<vmem>>, vector<1x16xi32>,
    %swap3A_682 = vector.shape_cast %swap3A_681 : vector<1x16xi32> to vector<16xi32>
    %swap3A_683 = vector.shape_cast %add3A_677 : vector<16xi32> to vector<1x16xi32>
    tpu.vector_store %arg4[%swap3A_679, %swap3A_680], %swap3A_683 {strides = array<i32>} : memref<8x128xi32, #tpu.memory_space<vmem>>, vector<1x16xi32>,
    %get3A_684 = arith.constant 5 : i32
    %get3A_685 = arith.index_cast %get3A_684 : i32 to index
    %get3A_686 = arith.constant 80 : index
    %get3A_687 = tpu.vector_load %arg4[%get3A_685, %get3A_686] {strides = array<i32>} : memref<8x128xi32, #tpu.memory_space<vmem>>, vector<1x16xi32>,
    %get3A_688 = vector.shape_cast %get3A_687 : vector<1x16xi32> to vector<16xi32>
    %add3A_689 = vector.broadcast %mul3A_99 : i32 to vector<16xi32>
    %add3A_690 = arith.addi %get3A_688, %add3A_689 : vector<16xi32>
    %swap3A_691 = arith.constant 5 : i32
    %swap3A_692 = arith.index_cast %swap3A_691 : i32 to index
    %swap3A_693 = arith.constant 80 : index
    %swap3A_694 = tpu.vector_load %arg4[%swap3A_692, %swap3A_693] {strides = array<i32>} : memref<8x128xi32, #tpu.memory_space<vmem>>, vector<1x16xi32>,
    %swap3A_695 = vector.shape_cast %swap3A_694 : vector<1x16xi32> to vector<16xi32>
    %swap3A_696 = vector.shape_cast %add3A_690 : vector<16xi32> to vector<1x16xi32>
    tpu.vector_store %arg4[%swap3A_692, %swap3A_693], %swap3A_696 {strides = array<i32>} : memref<8x128xi32, #tpu.memory_space<vmem>>, vector<1x16xi32>,
    %get3A_697 = arith.constant 5 : i32
    %get3A_698 = arith.index_cast %get3A_697 : i32 to index
    %get3A_699 = arith.constant 96 : index
    %get3A_700 = tpu.vector_load %arg4[%get3A_698, %get3A_699] {strides = array<i32>} : memref<8x128xi32, #tpu.memory_space<vmem>>, vector<1x16xi32>,
    %get3A_701 = vector.shape_cast %get3A_700 : vector<1x16xi32> to vector<16xi32>
    %add3A_702 = vector.broadcast %mul3A_99 : i32 to vector<16xi32>
    %add3A_703 = arith.addi %get3A_701, %add3A_702 : vector<16xi32>
    %swap3A_704 = arith.constant 5 : i32
    %swap3A_705 = arith.index_cast %swap3A_704 : i32 to index
    %swap3A_706 = arith.constant 96 : index
    %swap3A_707 = tpu.vector_load %arg4[%swap3A_705, %swap3A_706] {strides = array<i32>} : memref<8x128xi32, #tpu.memory_space<vmem>>, vector<1x16xi32>,
    %swap3A_708 = vector.shape_cast %swap3A_707 : vector<1x16xi32> to vector<16xi32>
    %swap3A_709 = vector.shape_cast %add3A_703 : vector<16xi32> to vector<1x16xi32>
    tpu.vector_store %arg4[%swap3A_705, %swap3A_706], %swap3A_709 {strides = array<i32>} : memref<8x128xi32, #tpu.memory_space<vmem>>, vector<1x16xi32>,
    %get3A_710 = arith.constant 5 : i32
    %get3A_711 = arith.index_cast %get3A_710 : i32 to index
    %get3A_712 = arith.constant 112 : index
    %get3A_713 = tpu.vector_load %arg4[%get3A_711, %get3A_712] {strides = array<i32>} : memref<8x128xi32, #tpu.memory_space<vmem>>, vector<1x16xi32>,
    %get3A_714 = vector.shape_cast %get3A_713 : vector<1x16xi32> to vector<16xi32>
    %add3A_715 = vector.broadcast %mul3A_99 : i32 to vector<16xi32>
    %add3A_716 = arith.addi %get3A_714, %add3A_715 : vector<16xi32>
    %swap3A_717 = arith.constant 5 : i32
    %swap3A_718 = arith.index_cast %swap3A_717 : i32 to index
    %swap3A_719 = arith.constant 112 : index
    %swap3A_720 = tpu.vector_load %arg4[%swap3A_718, %swap3A_719] {strides = array<i32>} : memref<8x128xi32, #tpu.memory_space<vmem>>, vector<1x16xi32>,
    %swap3A_721 = vector.shape_cast %swap3A_720 : vector<1x16xi32> to vector<16xi32>
    %swap3A_722 = vector.shape_cast %add3A_716 : vector<16xi32> to vector<1x16xi32>
    tpu.vector_store %arg4[%swap3A_718, %swap3A_719], %swap3A_722 {strides = array<i32>} : memref<8x128xi32, #tpu.memory_space<vmem>>, vector<1x16xi32>,
    %get3A_723 = arith.constant 6 : i32
    %get3A_724 = arith.index_cast %get3A_723 : i32 to index
    %get3A_725 = arith.constant 0 : index
    %get3A_726 = tpu.vector_load %arg4[%get3A_724, %get3A_725] {strides = array<i32>} : memref<8x128xi32, #tpu.memory_space<vmem>>, vector<1x16xi32>,
    %get3A_727 = vector.shape_cast %get3A_726 : vector<1x16xi32> to vector<16xi32>
    %add3A_728 = vector.broadcast %mul3A_99 : i32 to vector<16xi32>
    %add3A_729 = arith.addi %get3A_727, %add3A_728 : vector<16xi32>
    %swap3A_730 = arith.constant 6 : i32
    %swap3A_731 = arith.index_cast %swap3A_730 : i32 to index
    %swap3A_732 = arith.constant 0 : index
    %swap3A_733 = tpu.vector_load %arg4[%swap3A_731, %swap3A_732] {strides = array<i32>} : memref<8x128xi32, #tpu.memory_space<vmem>>, vector<1x16xi32>,
    %swap3A_734 = vector.shape_cast %swap3A_733 : vector<1x16xi32> to vector<16xi32>
    %swap3A_735 = vector.shape_cast %add3A_729 : vector<16xi32> to vector<1x16xi32>
    tpu.vector_store %arg4[%swap3A_731, %swap3A_732], %swap3A_735 {strides = array<i32>} : memref<8x128xi32, #tpu.memory_space<vmem>>, vector<1x16xi32>,
    %get3A_736 = arith.constant 6 : i32
    %get3A_737 = arith.index_cast %get3A_736 : i32 to index
    %get3A_738 = arith.constant 16 : index
    %get3A_739 = tpu.vector_load %arg4[%get3A_737, %get3A_738] {strides = array<i32>} : memref<8x128xi32, #tpu.memory_space<vmem>>, vector<1x16xi32>,
    %get3A_740 = vector.shape_cast %get3A_739 : vector<1x16xi32> to vector<16xi32>
    %add3A_741 = vector.broadcast %mul3A_99 : i32 to vector<16xi32>
    %add3A_742 = arith.addi %get3A_740, %add3A_741 : vector<16xi32>
    %swap3A_743 = arith.constant 6 : i32
    %swap3A_744 = arith.index_cast %swap3A_743 : i32 to index
    %swap3A_745 = arith.constant 16 : index
    %swap3A_746 = tpu.vector_load %arg4[%swap3A_744, %swap3A_745] {strides = array<i32>} : memref<8x128xi32, #tpu.memory_space<vmem>>, vector<1x16xi32>,
    %swap3A_747 = vector.shape_cast %swap3A_746 : vector<1x16xi32> to vector<16xi32>
    %swap3A_748 = vector.shape_cast %add3A_742 : vector<16xi32> to vector<1x16xi32>
    tpu.vector_store %arg4[%swap3A_744, %swap3A_745], %swap3A_748 {strides = array<i32>} : memref<8x128xi32, #tpu.memory_space<vmem>>, vector<1x16xi32>,
    %get3A_749 = arith.constant 6 : i32
    %get3A_750 = arith.index_cast %get3A_749 : i32 to index
    %get3A_751 = arith.constant 32 : index
    %get3A_752 = tpu.vector_load %arg4[%get3A_750, %get3A_751] {strides = array<i32>} : memref<8x128xi32, #tpu.memory_space<vmem>>, vector<1x16xi32>,
    %get3A_753 = vector.shape_cast %get3A_752 : vector<1x16xi32> to vector<16xi32>
    %add3A_754 = vector.broadcast %mul3A_99 : i32 to vector<16xi32>
    %add3A_755 = arith.addi %get3A_753, %add3A_754 : vector<16xi32>
    %swap3A_756 = arith.constant 6 : i32
    %swap3A_757 = arith.index_cast %swap3A_756 : i32 to index
    %swap3A_758 = arith.constant 32 : index
    %swap3A_759 = tpu.vector_load %arg4[%swap3A_757, %swap3A_758] {strides = array<i32>} : memref<8x128xi32, #tpu.memory_space<vmem>>, vector<1x16xi32>,
    %swap3A_760 = vector.shape_cast %swap3A_759 : vector<1x16xi32> to vector<16xi32>
    %swap3A_761 = vector.shape_cast %add3A_755 : vector<16xi32> to vector<1x16xi32>
    tpu.vector_store %arg4[%swap3A_757, %swap3A_758], %swap3A_761 {strides = array<i32>} : memref<8x128xi32, #tpu.memory_space<vmem>>, vector<1x16xi32>,
    %get3A_762 = arith.constant 6 : i32
    %get3A_763 = arith.index_cast %get3A_762 : i32 to index
    %get3A_764 = arith.constant 48 : index
    %get3A_765 = tpu.vector_load %arg4[%get3A_763, %get3A_764] {strides = array<i32>} : memref<8x128xi32, #tpu.memory_space<vmem>>, vector<1x16xi32>,
    %get3A_766 = vector.shape_cast %get3A_765 : vector<1x16xi32> to vector<16xi32>
    %add3A_767 = vector.broadcast %mul3A_99 : i32 to vector<16xi32>
    %add3A_768 = arith.addi %get3A_766, %add3A_767 : vector<16xi32>
    %swap3A_769 = arith.constant 6 : i32
    %swap3A_770 = arith.index_cast %swap3A_769 : i32 to index
    %swap3A_771 = arith.constant 48 : index
    %swap3A_772 = tpu.vector_load %arg4[%swap3A_770, %swap3A_771] {strides = array<i32>} : memref<8x128xi32, #tpu.memory_space<vmem>>, vector<1x16xi32>,
    %swap3A_773 = vector.shape_cast %swap3A_772 : vector<1x16xi32> to vector<16xi32>
    %swap3A_774 = vector.shape_cast %add3A_768 : vector<16xi32> to vector<1x16xi32>
    tpu.vector_store %arg4[%swap3A_770, %swap3A_771], %swap3A_774 {strides = array<i32>} : memref<8x128xi32, #tpu.memory_space<vmem>>, vector<1x16xi32>,
    %get3A_775 = arith.constant 6 : i32
    %get3A_776 = arith.index_cast %get3A_775 : i32 to index
    %get3A_777 = arith.constant 64 : index
    %get3A_778 = tpu.vector_load %arg4[%get3A_776, %get3A_777] {strides = array<i32>} : memref<8x128xi32, #tpu.memory_space<vmem>>, vector<1x16xi32>,
    %get3A_779 = vector.shape_cast %get3A_778 : vector<1x16xi32> to vector<16xi32>
    %add3A_780 = vector.broadcast %mul3A_99 : i32 to vector<16xi32>
    %add3A_781 = arith.addi %get3A_779, %add3A_780 : vector<16xi32>
    %swap3A_782 = arith.constant 6 : i32
    %swap3A_783 = arith.index_cast %swap3A_782 : i32 to index
    %swap3A_784 = arith.constant 64 : index
    %swap3A_785 = tpu.vector_load %arg4[%swap3A_783, %swap3A_784] {strides = array<i32>} : memref<8x128xi32, #tpu.memory_space<vmem>>, vector<1x16xi32>,
    %swap3A_786 = vector.shape_cast %swap3A_785 : vector<1x16xi32> to vector<16xi32>
    %swap3A_787 = vector.shape_cast %add3A_781 : vector<16xi32> to vector<1x16xi32>
    tpu.vector_store %arg4[%swap3A_783, %swap3A_784], %swap3A_787 {strides = array<i32>} : memref<8x128xi32, #tpu.memory_space<vmem>>, vector<1x16xi32>,
    %get3A_788 = arith.constant 6 : i32
    %get3A_789 = arith.index_cast %get3A_788 : i32 to index
    %get3A_790 = arith.constant 80 : index
    %get3A_791 = tpu.vector_load %arg4[%get3A_789, %get3A_790] {strides = array<i32>} : memref<8x128xi32, #tpu.memory_space<vmem>>, vector<1x16xi32>,
    %get3A_792 = vector.shape_cast %get3A_791 : vector<1x16xi32> to vector<16xi32>
    %add3A_793 = vector.broadcast %mul3A_99 : i32 to vector<16xi32>
    %add3A_794 = arith.addi %get3A_792, %add3A_793 : vector<16xi32>
    %swap3A_795 = arith.constant 6 : i32
    %swap3A_796 = arith.index_cast %swap3A_795 : i32 to index
    %swap3A_797 = arith.constant 80 : index
    %swap3A_798 = tpu.vector_load %arg4[%swap3A_796, %swap3A_797] {strides = array<i32>} : memref<8x128xi32, #tpu.memory_space<vmem>>, vector<1x16xi32>,
    %swap3A_799 = vector.shape_cast %swap3A_798 : vector<1x16xi32> to vector<16xi32>
    %swap3A_800 = vector.shape_cast %add3A_794 : vector<16xi32> to vector<1x16xi32>
    tpu.vector_store %arg4[%swap3A_796, %swap3A_797], %swap3A_800 {strides = array<i32>} : memref<8x128xi32, #tpu.memory_space<vmem>>, vector<1x16xi32>,
    %get3A_801 = arith.constant 6 : i32
    %get3A_802 = arith.index_cast %get3A_801 : i32 to index
    %get3A_803 = arith.constant 96 : index
    %get3A_804 = tpu.vector_load %arg4[%get3A_802, %get3A_803] {strides = array<i32>} : memref<8x128xi32, #tpu.memory_space<vmem>>, vector<1x16xi32>,
    %get3A_805 = vector.shape_cast %get3A_804 : vector<1x16xi32> to vector<16xi32>
    %add3A_806 = vector.broadcast %mul3A_99 : i32 to vector<16xi32>
    %add3A_807 = arith.addi %get3A_805, %add3A_806 : vector<16xi32>
    %swap3A_808 = arith.constant 6 : i32
    %swap3A_809 = arith.index_cast %swap3A_808 : i32 to index
    %swap3A_810 = arith.constant 96 : index
    %swap3A_811 = tpu.vector_load %arg4[%swap3A_809, %swap3A_810] {strides = array<i32>} : memref<8x128xi32, #tpu.memory_space<vmem>>, vector<1x16xi32>,
    %swap3A_812 = vector.shape_cast %swap3A_811 : vector<1x16xi32> to vector<16xi32>
    %swap3A_813 = vector.shape_cast %add3A_807 : vector<16xi32> to vector<1x16xi32>
    tpu.vector_store %arg4[%swap3A_809, %swap3A_810], %swap3A_813 {strides = array<i32>} : memref<8x128xi32, #tpu.memory_space<vmem>>, vector<1x16xi32>,
    %get3A_814 = arith.constant 6 : i32
    %get3A_815 = arith.index_cast %get3A_814 : i32 to index
    %get3A_816 = arith.constant 112 : index
    %get3A_817 = tpu.vector_load %arg4[%get3A_815, %get3A_816] {strides = array<i32>} : memref<8x128xi32, #tpu.memory_space<vmem>>, vector<1x16xi32>,
    %get3A_818 = vector.shape_cast %get3A_817 : vector<1x16xi32> to vector<16xi32>
    %add3A_819 = vector.broadcast %mul3A_99 : i32 to vector<16xi32>
    %add3A_820 = arith.addi %get3A_818, %add3A_819 : vector<16xi32>
    %swap3A_821 = arith.constant 6 : i32
    %swap3A_822 = arith.index_cast %swap3A_821 : i32 to index
    %swap3A_823 = arith.constant 112 : index
    %swap3A_824 = tpu.vector_load %arg4[%swap3A_822, %swap3A_823] {strides = array<i32>} : memref<8x128xi32, #tpu.memory_space<vmem>>, vector<1x16xi32>,
    %swap3A_825 = vector.shape_cast %swap3A_824 : vector<1x16xi32> to vector<16xi32>
    %swap3A_826 = vector.shape_cast %add3A_820 : vector<16xi32> to vector<1x16xi32>
    tpu.vector_store %arg4[%swap3A_822, %swap3A_823], %swap3A_826 {strides = array<i32>} : memref<8x128xi32, #tpu.memory_space<vmem>>, vector<1x16xi32>,
    %get3A_827 = arith.constant 7 : i32
    %get3A_828 = arith.index_cast %get3A_827 : i32 to index
    %get3A_829 = arith.constant 0 : index
    %get3A_830 = tpu.vector_load %arg4[%get3A_828, %get3A_829] {strides = array<i32>} : memref<8x128xi32, #tpu.memory_space<vmem>>, vector<1x16xi32>,
    %get3A_831 = vector.shape_cast %get3A_830 : vector<1x16xi32> to vector<16xi32>
    %add3A_832 = vector.broadcast %mul3A_99 : i32 to vector<16xi32>
    %add3A_833 = arith.addi %get3A_831, %add3A_832 : vector<16xi32>
    %swap3A_834 = arith.constant 7 : i32
    %swap3A_835 = arith.index_cast %swap3A_834 : i32 to index
    %swap3A_836 = arith.constant 0 : index
    %swap3A_837 = tpu.vector_load %arg4[%swap3A_835, %swap3A_836] {strides = array<i32>} : memref<8x128xi32, #tpu.memory_space<vmem>>, vector<1x16xi32>,
    %swap3A_838 = vector.shape_cast %swap3A_837 : vector<1x16xi32> to vector<16xi32>
    %swap3A_839 = vector.shape_cast %add3A_833 : vector<16xi32> to vector<1x16xi32>
    tpu.vector_store %arg4[%swap3A_835, %swap3A_836], %swap3A_839 {strides = array<i32>} : memref<8x128xi32, #tpu.memory_space<vmem>>, vector<1x16xi32>,
    %get3A_840 = arith.constant 7 : i32
    %get3A_841 = arith.index_cast %get3A_840 : i32 to index
    %get3A_842 = arith.constant 16 : index
    %get3A_843 = tpu.vector_load %arg4[%get3A_841, %get3A_842] {strides = array<i32>} : memref<8x128xi32, #tpu.memory_space<vmem>>, vector<1x16xi32>,
    %get3A_844 = vector.shape_cast %get3A_843 : vector<1x16xi32> to vector<16xi32>
    %add3A_845 = vector.broadcast %mul3A_99 : i32 to vector<16xi32>
    %add3A_846 = arith.addi %get3A_844, %add3A_845 : vector<16xi32>
    %swap3A_847 = arith.constant 7 : i32
    %swap3A_848 = arith.index_cast %swap3A_847 : i32 to index
    %swap3A_849 = arith.constant 16 : index
    %swap3A_850 = tpu.vector_load %arg4[%swap3A_848, %swap3A_849] {strides = array<i32>} : memref<8x128xi32, #tpu.memory_space<vmem>>, vector<1x16xi32>,
    %swap3A_851 = vector.shape_cast %swap3A_850 : vector<1x16xi32> to vector<16xi32>
    %swap3A_852 = vector.shape_cast %add3A_846 : vector<16xi32> to vector<1x16xi32>
    tpu.vector_store %arg4[%swap3A_848, %swap3A_849], %swap3A_852 {strides = array<i32>} : memref<8x128xi32, #tpu.memory_space<vmem>>, vector<1x16xi32>,
    %get3A_853 = arith.constant 7 : i32
    %get3A_854 = arith.index_cast %get3A_853 : i32 to index
    %get3A_855 = arith.constant 32 : index
    %get3A_856 = tpu.vector_load %arg4[%get3A_854, %get3A_855] {strides = array<i32>} : memref<8x128xi32, #tpu.memory_space<vmem>>, vector<1x16xi32>,
    %get3A_857 = vector.shape_cast %get3A_856 : vector<1x16xi32> to vector<16xi32>
    %add3A_858 = vector.broadcast %mul3A_99 : i32 to vector<16xi32>
    %add3A_859 = arith.addi %get3A_857, %add3A_858 : vector<16xi32>
    %swap3A_860 = arith.constant 7 : i32
    %swap3A_861 = arith.index_cast %swap3A_860 : i32 to index
    %swap3A_862 = arith.constant 32 : index
    %swap3A_863 = tpu.vector_load %arg4[%swap3A_861, %swap3A_862] {strides = array<i32>} : memref<8x128xi32, #tpu.memory_space<vmem>>, vector<1x16xi32>,
    %swap3A_864 = vector.shape_cast %swap3A_863 : vector<1x16xi32> to vector<16xi32>
    %swap3A_865 = vector.shape_cast %add3A_859 : vector<16xi32> to vector<1x16xi32>
    tpu.vector_store %arg4[%swap3A_861, %swap3A_862], %swap3A_865 {strides = array<i32>} : memref<8x128xi32, #tpu.memory_space<vmem>>, vector<1x16xi32>,
    %get3A_866 = arith.constant 7 : i32
    %get3A_867 = arith.index_cast %get3A_866 : i32 to index
    %get3A_868 = arith.constant 48 : index
    %get3A_869 = tpu.vector_load %arg4[%get3A_867, %get3A_868] {strides = array<i32>} : memref<8x128xi32, #tpu.memory_space<vmem>>, vector<1x16xi32>,
    %get3A_870 = vector.shape_cast %get3A_869 : vector<1x16xi32> to vector<16xi32>
    %add3A_871 = vector.broadcast %mul3A_99 : i32 to vector<16xi32>
    %add3A_872 = arith.addi %get3A_870, %add3A_871 : vector<16xi32>
    %swap3A_873 = arith.constant 7 : i32
    %swap3A_874 = arith.index_cast %swap3A_873 : i32 to index
    %swap3A_875 = arith.constant 48 : index
    %swap3A_876 = tpu.vector_load %arg4[%swap3A_874, %swap3A_875] {strides = array<i32>} : memref<8x128xi32, #tpu.memory_space<vmem>>, vector<1x16xi32>,
    %swap3A_877 = vector.shape_cast %swap3A_876 : vector<1x16xi32> to vector<16xi32>
    %swap3A_878 = vector.shape_cast %add3A_872 : vector<16xi32> to vector<1x16xi32>
    tpu.vector_store %arg4[%swap3A_874, %swap3A_875], %swap3A_878 {strides = array<i32>} : memref<8x128xi32, #tpu.memory_space<vmem>>, vector<1x16xi32>,
    %get3A_879 = arith.constant 7 : i32
    %get3A_880 = arith.index_cast %get3A_879 : i32 to index
    %get3A_881 = arith.constant 64 : index
    %get3A_882 = tpu.vector_load %arg4[%get3A_880, %get3A_881] {strides = array<i32>} : memref<8x128xi32, #tpu.memory_space<vmem>>, vector<1x16xi32>,
    %get3A_883 = vector.shape_cast %get3A_882 : vector<1x16xi32> to vector<16xi32>
    %add3A_884 = vector.broadcast %mul3A_99 : i32 to vector<16xi32>
    %add3A_885 = arith.addi %get3A_883, %add3A_884 : vector<16xi32>
    %swap3A_886 = arith.constant 7 : i32
    %swap3A_887 = arith.index_cast %swap3A_886 : i32 to index
    %swap3A_888 = arith.constant 64 : index
    %swap3A_889 = tpu.vector_load %arg4[%swap3A_887, %swap3A_888] {strides = array<i32>} : memref<8x128xi32, #tpu.memory_space<vmem>>, vector<1x16xi32>,
    %swap3A_890 = vector.shape_cast %swap3A_889 : vector<1x16xi32> to vector<16xi32>
    %swap3A_891 = vector.shape_cast %add3A_885 : vector<16xi32> to vector<1x16xi32>
    tpu.vector_store %arg4[%swap3A_887, %swap3A_888], %swap3A_891 {strides = array<i32>} : memref<8x128xi32, #tpu.memory_space<vmem>>, vector<1x16xi32>,
    %get3A_892 = arith.constant 7 : i32
    %get3A_893 = arith.index_cast %get3A_892 : i32 to index
    %get3A_894 = arith.constant 80 : index
    %get3A_895 = tpu.vector_load %arg4[%get3A_893, %get3A_894] {strides = array<i32>} : memref<8x128xi32, #tpu.memory_space<vmem>>, vector<1x16xi32>,
    %get3A_896 = vector.shape_cast %get3A_895 : vector<1x16xi32> to vector<16xi32>
    %add3A_897 = vector.broadcast %mul3A_99 : i32 to vector<16xi32>
    %add3A_898 = arith.addi %get3A_896, %add3A_897 : vector<16xi32>
    %swap3A_899 = arith.constant 7 : i32
    %swap3A_900 = arith.index_cast %swap3A_899 : i32 to index
    %swap3A_901 = arith.constant 80 : index
    %swap3A_902 = tpu.vector_load %arg4[%swap3A_900, %swap3A_901] {strides = array<i32>} : memref<8x128xi32, #tpu.memory_space<vmem>>, vector<1x16xi32>,
    %swap3A_903 = vector.shape_cast %swap3A_902 : vector<1x16xi32> to vector<16xi32>
    %swap3A_904 = vector.shape_cast %add3A_898 : vector<16xi32> to vector<1x16xi32>
    tpu.vector_store %arg4[%swap3A_900, %swap3A_901], %swap3A_904 {strides = array<i32>} : memref<8x128xi32, #tpu.memory_space<vmem>>, vector<1x16xi32>,
    %get3A_905 = arith.constant 7 : i32
    %get3A_906 = arith.index_cast %get3A_905 : i32 to index
    %get3A_907 = arith.constant 96 : index
    %get3A_908 = tpu.vector_load %arg4[%get3A_906, %get3A_907] {strides = array<i32>} : memref<8x128xi32, #tpu.memory_space<vmem>>, vector<1x16xi32>,
    %get3A_909 = vector.shape_cast %get3A_908 : vector<1x16xi32> to vector<16xi32>
    %add3A_910 = vector.broadcast %mul3A_99 : i32 to vector<16xi32>
    %add3A_911 = arith.addi %get3A_909, %add3A_910 : vector<16xi32>
    %swap3A_912 = arith.constant 7 : i32
    %swap3A_913 = arith.index_cast %swap3A_912 : i32 to index
    %swap3A_914 = arith.constant 96 : index
    %swap3A_915 = tpu.vector_load %arg4[%swap3A_913, %swap3A_914] {strides = array<i32>} : memref<8x128xi32, #tpu.memory_space<vmem>>, vector<1x16xi32>,
    %swap3A_916 = vector.shape_cast %swap3A_915 : vector<1x16xi32> to vector<16xi32>
    %swap3A_917 = vector.shape_cast %add3A_911 : vector<16xi32> to vector<1x16xi32>
    tpu.vector_store %arg4[%swap3A_913, %swap3A_914], %swap3A_917 {strides = array<i32>} : memref<8x128xi32, #tpu.memory_space<vmem>>, vector<1x16xi32>,
    %get3A_918 = arith.constant 7 : i32
    %get3A_919 = arith.index_cast %get3A_918 : i32 to index
    %get3A_920 = arith.constant 112 : index
    %get3A_921 = tpu.vector_load %arg4[%get3A_919, %get3A_920] {strides = array<i32>} : memref<8x128xi32, #tpu.memory_space<vmem>>, vector<1x16xi32>,
    %get3A_922 = vector.shape_cast %get3A_921 : vector<1x16xi32> to vector<16xi32>
    %add3A_923 = vector.broadcast %mul3A_99 : i32 to vector<16xi32>
    %add3A_924 = arith.addi %get3A_922, %add3A_923 : vector<16xi32>
    %swap3A_925 = arith.constant 7 : i32
    %swap3A_926 = arith.index_cast %swap3A_925 : i32 to index
    %swap3A_927 = arith.constant 112 : index
    %swap3A_928 = tpu.vector_load %arg4[%swap3A_926, %swap3A_927] {strides = array<i32>} : memref<8x128xi32, #tpu.memory_space<vmem>>, vector<1x16xi32>,
    %swap3A_929 = vector.shape_cast %swap3A_928 : vector<1x16xi32> to vector<16xi32>
    %swap3A_930 = vector.shape_cast %add3A_924 : vector<16xi32> to vector<1x16xi32>
    tpu.vector_store %arg4[%swap3A_926, %swap3A_927], %swap3A_930 {strides = array<i32>} : memref<8x128xi32, #tpu.memory_space<vmem>>, vector<1x16xi32>,
    %run_scoped3A_931 = arith.constant 0 : i32
    "tpu.region"() ({
      %run_scoped3A_943 = tpu.sem_alloc : memref<!tpu.dma_semaphore, #tpu.memory_space<semaphore_mem>>
      %dma_start3A = arith.constant 0 : i32
      %dma_start3A_944 = tpu.memref_slice %arg4[%run_scoped3A_931, %dma_start3A] : memref<8x128xi32, #tpu.memory_space<vmem>> -> memref<1x128xi32, #tpu.memory_space<vmem>>
      %dma_start3A_945 = tpu.memref_squeeze %dma_start3A_944 : memref<1x128xi32, #tpu.memory_space<vmem>> -> memref<128xi32, #tpu.memory_space<vmem>>
      %dma_start3A_946 = arith.constant 0 : i32
      %dma_start3A_947 = tpu.memref_slice %arg7[%dma_start3A_946] : memref<1024xf32, #tpu.memory_space<vmem_shared>> -> memref<1024xf32, #tpu.memory_space<vmem_shared>>
      tpu.enqueue_indirect_dma source(%arg5 : memref<128xf32, #tpu.memory_space<vmem>>) target(%dma_start3A_947 : memref<1024xf32, #tpu.memory_space<vmem_shared>>) offsets(%dma_start3A_945 : memref<128xi32, #tpu.memory_space<vmem>>) semaphore(%run_scoped3A_943 : memref<!tpu.dma_semaphore, #tpu.memory_space<semaphore_mem>>) {add = true}
      %dma_wait3A = arith.constant 0 : i32
      %dma_wait3A_948 = tpu.memref_slice %arg4[%run_scoped3A_931, %dma_wait3A] : memref<8x128xi32, #tpu.memory_space<vmem>> -> memref<1x128xi32, #tpu.memory_space<vmem>>
      %dma_wait3A_949 = tpu.memref_squeeze %dma_wait3A_948 : memref<1x128xi32, #tpu.memory_space<vmem>> -> memref<128xi32, #tpu.memory_space<vmem>>
      %dma_wait3A_950 = arith.constant 0 : i32
      %dma_wait3A_951 = tpu.memref_slice %arg7[%dma_wait3A_950] : memref<1024xf32, #tpu.memory_space<vmem_shared>> -> memref<1024xf32, #tpu.memory_space<vmem_shared>>
      tpu.wait_indirect_dma semaphore(%run_scoped3A_943 : memref<!tpu.dma_semaphore, #tpu.memory_space<semaphore_mem>>) src(%arg5 : memref<128xf32, #tpu.memory_space<vmem>>) dst(%dma_wait3A_951 : memref<1024xf32, #tpu.memory_space<vmem_shared>>)
      tpu.yield
    }) : () -> ()
    %run_scoped3A_932 = arith.constant 1 : i32
    "tpu.region"() ({
      %run_scoped3A_943 = tpu.sem_alloc : memref<!tpu.dma_semaphore, #tpu.memory_space<semaphore_mem>>
      %dma_start3A = arith.constant 0 : i32
      %dma_start3A_944 = tpu.memref_slice %arg4[%run_scoped3A_932, %dma_start3A] : memref<8x128xi32, #tpu.memory_space<vmem>> -> memref<1x128xi32, #tpu.memory_space<vmem>>
      %dma_start3A_945 = tpu.memref_squeeze %dma_start3A_944 : memref<1x128xi32, #tpu.memory_space<vmem>> -> memref<128xi32, #tpu.memory_space<vmem>>
      %dma_start3A_946 = arith.constant 0 : i32
      %dma_start3A_947 = tpu.memref_slice %arg7[%dma_start3A_946] : memref<1024xf32, #tpu.memory_space<vmem_shared>> -> memref<1024xf32, #tpu.memory_space<vmem_shared>>
      tpu.enqueue_indirect_dma source(%arg5 : memref<128xf32, #tpu.memory_space<vmem>>) target(%dma_start3A_947 : memref<1024xf32, #tpu.memory_space<vmem_shared>>) offsets(%dma_start3A_945 : memref<128xi32, #tpu.memory_space<vmem>>) semaphore(%run_scoped3A_943 : memref<!tpu.dma_semaphore, #tpu.memory_space<semaphore_mem>>) {add = true}
      %dma_wait3A = arith.constant 0 : i32
      %dma_wait3A_948 = tpu.memref_slice %arg4[%run_scoped3A_932, %dma_wait3A] : memref<8x128xi32, #tpu.memory_space<vmem>> -> memref<1x128xi32, #tpu.memory_space<vmem>>
      %dma_wait3A_949 = tpu.memref_squeeze %dma_wait3A_948 : memref<1x128xi32, #tpu.memory_space<vmem>> -> memref<128xi32, #tpu.memory_space<vmem>>
      %dma_wait3A_950 = arith.constant 0 : i32
      %dma_wait3A_951 = tpu.memref_slice %arg7[%dma_wait3A_950] : memref<1024xf32, #tpu.memory_space<vmem_shared>> -> memref<1024xf32, #tpu.memory_space<vmem_shared>>
      tpu.wait_indirect_dma semaphore(%run_scoped3A_943 : memref<!tpu.dma_semaphore, #tpu.memory_space<semaphore_mem>>) src(%arg5 : memref<128xf32, #tpu.memory_space<vmem>>) dst(%dma_wait3A_951 : memref<1024xf32, #tpu.memory_space<vmem_shared>>)
      tpu.yield
    }) : () -> ()
    %run_scoped3A_933 = arith.constant 2 : i32
    "tpu.region"() ({
      %run_scoped3A_943 = tpu.sem_alloc : memref<!tpu.dma_semaphore, #tpu.memory_space<semaphore_mem>>
      %dma_start3A = arith.constant 0 : i32
      %dma_start3A_944 = tpu.memref_slice %arg4[%run_scoped3A_933, %dma_start3A] : memref<8x128xi32, #tpu.memory_space<vmem>> -> memref<1x128xi32, #tpu.memory_space<vmem>>
      %dma_start3A_945 = tpu.memref_squeeze %dma_start3A_944 : memref<1x128xi32, #tpu.memory_space<vmem>> -> memref<128xi32, #tpu.memory_space<vmem>>
      %dma_start3A_946 = arith.constant 0 : i32
      %dma_start3A_947 = tpu.memref_slice %arg7[%dma_start3A_946] : memref<1024xf32, #tpu.memory_space<vmem_shared>> -> memref<1024xf32, #tpu.memory_space<vmem_shared>>
      tpu.enqueue_indirect_dma source(%arg5 : memref<128xf32, #tpu.memory_space<vmem>>) target(%dma_start3A_947 : memref<1024xf32, #tpu.memory_space<vmem_shared>>) offsets(%dma_start3A_945 : memref<128xi32, #tpu.memory_space<vmem>>) semaphore(%run_scoped3A_943 : memref<!tpu.dma_semaphore, #tpu.memory_space<semaphore_mem>>) {add = true}
      %dma_wait3A = arith.constant 0 : i32
      %dma_wait3A_948 = tpu.memref_slice %arg4[%run_scoped3A_933, %dma_wait3A] : memref<8x128xi32, #tpu.memory_space<vmem>> -> memref<1x128xi32, #tpu.memory_space<vmem>>
      %dma_wait3A_949 = tpu.memref_squeeze %dma_wait3A_948 : memref<1x128xi32, #tpu.memory_space<vmem>> -> memref<128xi32, #tpu.memory_space<vmem>>
      %dma_wait3A_950 = arith.constant 0 : i32
      %dma_wait3A_951 = tpu.memref_slice %arg7[%dma_wait3A_950] : memref<1024xf32, #tpu.memory_space<vmem_shared>> -> memref<1024xf32, #tpu.memory_space<vmem_shared>>
      tpu.wait_indirect_dma semaphore(%run_scoped3A_943 : memref<!tpu.dma_semaphore, #tpu.memory_space<semaphore_mem>>) src(%arg5 : memref<128xf32, #tpu.memory_space<vmem>>) dst(%dma_wait3A_951 : memref<1024xf32, #tpu.memory_space<vmem_shared>>)
      tpu.yield
    }) : () -> ()
    %run_scoped3A_934 = arith.constant 3 : i32
    "tpu.region"() ({
      %run_scoped3A_943 = tpu.sem_alloc : memref<!tpu.dma_semaphore, #tpu.memory_space<semaphore_mem>>
      %dma_start3A = arith.constant 0 : i32
      %dma_start3A_944 = tpu.memref_slice %arg4[%run_scoped3A_934, %dma_start3A] : memref<8x128xi32, #tpu.memory_space<vmem>> -> memref<1x128xi32, #tpu.memory_space<vmem>>
      %dma_start3A_945 = tpu.memref_squeeze %dma_start3A_944 : memref<1x128xi32, #tpu.memory_space<vmem>> -> memref<128xi32, #tpu.memory_space<vmem>>
      %dma_start3A_946 = arith.constant 0 : i32
      %dma_start3A_947 = tpu.memref_slice %arg7[%dma_start3A_946] : memref<1024xf32, #tpu.memory_space<vmem_shared>> -> memref<1024xf32, #tpu.memory_space<vmem_shared>>
      tpu.enqueue_indirect_dma source(%arg5 : memref<128xf32, #tpu.memory_space<vmem>>) target(%dma_start3A_947 : memref<1024xf32, #tpu.memory_space<vmem_shared>>) offsets(%dma_start3A_945 : memref<128xi32, #tpu.memory_space<vmem>>) semaphore(%run_scoped3A_943 : memref<!tpu.dma_semaphore, #tpu.memory_space<semaphore_mem>>) {add = true}
      %dma_wait3A = arith.constant 0 : i32
      %dma_wait3A_948 = tpu.memref_slice %arg4[%run_scoped3A_934, %dma_wait3A] : memref<8x128xi32, #tpu.memory_space<vmem>> -> memref<1x128xi32, #tpu.memory_space<vmem>>
      %dma_wait3A_949 = tpu.memref_squeeze %dma_wait3A_948 : memref<1x128xi32, #tpu.memory_space<vmem>> -> memref<128xi32, #tpu.memory_space<vmem>>
      %dma_wait3A_950 = arith.constant 0 : i32
      %dma_wait3A_951 = tpu.memref_slice %arg7[%dma_wait3A_950] : memref<1024xf32, #tpu.memory_space<vmem_shared>> -> memref<1024xf32, #tpu.memory_space<vmem_shared>>
      tpu.wait_indirect_dma semaphore(%run_scoped3A_943 : memref<!tpu.dma_semaphore, #tpu.memory_space<semaphore_mem>>) src(%arg5 : memref<128xf32, #tpu.memory_space<vmem>>) dst(%dma_wait3A_951 : memref<1024xf32, #tpu.memory_space<vmem_shared>>)
      tpu.yield
    }) : () -> ()
    %run_scoped3A_935 = arith.constant 4 : i32
    "tpu.region"() ({
      %run_scoped3A_943 = tpu.sem_alloc : memref<!tpu.dma_semaphore, #tpu.memory_space<semaphore_mem>>
      %dma_start3A = arith.constant 0 : i32
      %dma_start3A_944 = tpu.memref_slice %arg4[%run_scoped3A_935, %dma_start3A] : memref<8x128xi32, #tpu.memory_space<vmem>> -> memref<1x128xi32, #tpu.memory_space<vmem>>
      %dma_start3A_945 = tpu.memref_squeeze %dma_start3A_944 : memref<1x128xi32, #tpu.memory_space<vmem>> -> memref<128xi32, #tpu.memory_space<vmem>>
      %dma_start3A_946 = arith.constant 0 : i32
      %dma_start3A_947 = tpu.memref_slice %arg7[%dma_start3A_946] : memref<1024xf32, #tpu.memory_space<vmem_shared>> -> memref<1024xf32, #tpu.memory_space<vmem_shared>>
      tpu.enqueue_indirect_dma source(%arg5 : memref<128xf32, #tpu.memory_space<vmem>>) target(%dma_start3A_947 : memref<1024xf32, #tpu.memory_space<vmem_shared>>) offsets(%dma_start3A_945 : memref<128xi32, #tpu.memory_space<vmem>>) semaphore(%run_scoped3A_943 : memref<!tpu.dma_semaphore, #tpu.memory_space<semaphore_mem>>) {add = true}
      %dma_wait3A = arith.constant 0 : i32
      %dma_wait3A_948 = tpu.memref_slice %arg4[%run_scoped3A_935, %dma_wait3A] : memref<8x128xi32, #tpu.memory_space<vmem>> -> memref<1x128xi32, #tpu.memory_space<vmem>>
      %dma_wait3A_949 = tpu.memref_squeeze %dma_wait3A_948 : memref<1x128xi32, #tpu.memory_space<vmem>> -> memref<128xi32, #tpu.memory_space<vmem>>
      %dma_wait3A_950 = arith.constant 0 : i32
      %dma_wait3A_951 = tpu.memref_slice %arg7[%dma_wait3A_950] : memref<1024xf32, #tpu.memory_space<vmem_shared>> -> memref<1024xf32, #tpu.memory_space<vmem_shared>>
      tpu.wait_indirect_dma semaphore(%run_scoped3A_943 : memref<!tpu.dma_semaphore, #tpu.memory_space<semaphore_mem>>) src(%arg5 : memref<128xf32, #tpu.memory_space<vmem>>) dst(%dma_wait3A_951 : memref<1024xf32, #tpu.memory_space<vmem_shared>>)
      tpu.yield
    }) : () -> ()
    %run_scoped3A_936 = arith.constant 5 : i32
    "tpu.region"() ({
      %run_scoped3A_943 = tpu.sem_alloc : memref<!tpu.dma_semaphore, #tpu.memory_space<semaphore_mem>>
      %dma_start3A = arith.constant 0 : i32
      %dma_start3A_944 = tpu.memref_slice %arg4[%run_scoped3A_936, %dma_start3A] : memref<8x128xi32, #tpu.memory_space<vmem>> -> memref<1x128xi32, #tpu.memory_space<vmem>>
      %dma_start3A_945 = tpu.memref_squeeze %dma_start3A_944 : memref<1x128xi32, #tpu.memory_space<vmem>> -> memref<128xi32, #tpu.memory_space<vmem>>
      %dma_start3A_946 = arith.constant 0 : i32
      %dma_start3A_947 = tpu.memref_slice %arg7[%dma_start3A_946] : memref<1024xf32, #tpu.memory_space<vmem_shared>> -> memref<1024xf32, #tpu.memory_space<vmem_shared>>
      tpu.enqueue_indirect_dma source(%arg5 : memref<128xf32, #tpu.memory_space<vmem>>) target(%dma_start3A_947 : memref<1024xf32, #tpu.memory_space<vmem_shared>>) offsets(%dma_start3A_945 : memref<128xi32, #tpu.memory_space<vmem>>) semaphore(%run_scoped3A_943 : memref<!tpu.dma_semaphore, #tpu.memory_space<semaphore_mem>>) {add = true}
      %dma_wait3A = arith.constant 0 : i32
      %dma_wait3A_948 = tpu.memref_slice %arg4[%run_scoped3A_936, %dma_wait3A] : memref<8x128xi32, #tpu.memory_space<vmem>> -> memref<1x128xi32, #tpu.memory_space<vmem>>
      %dma_wait3A_949 = tpu.memref_squeeze %dma_wait3A_948 : memref<1x128xi32, #tpu.memory_space<vmem>> -> memref<128xi32, #tpu.memory_space<vmem>>
      %dma_wait3A_950 = arith.constant 0 : i32
      %dma_wait3A_951 = tpu.memref_slice %arg7[%dma_wait3A_950] : memref<1024xf32, #tpu.memory_space<vmem_shared>> -> memref<1024xf32, #tpu.memory_space<vmem_shared>>
      tpu.wait_indirect_dma semaphore(%run_scoped3A_943 : memref<!tpu.dma_semaphore, #tpu.memory_space<semaphore_mem>>) src(%arg5 : memref<128xf32, #tpu.memory_space<vmem>>) dst(%dma_wait3A_951 : memref<1024xf32, #tpu.memory_space<vmem_shared>>)
      tpu.yield
    }) : () -> ()
    %run_scoped3A_937 = arith.constant 6 : i32
    "tpu.region"() ({
      %run_scoped3A_943 = tpu.sem_alloc : memref<!tpu.dma_semaphore, #tpu.memory_space<semaphore_mem>>
      %dma_start3A = arith.constant 0 : i32
      %dma_start3A_944 = tpu.memref_slice %arg4[%run_scoped3A_937, %dma_start3A] : memref<8x128xi32, #tpu.memory_space<vmem>> -> memref<1x128xi32, #tpu.memory_space<vmem>>
      %dma_start3A_945 = tpu.memref_squeeze %dma_start3A_944 : memref<1x128xi32, #tpu.memory_space<vmem>> -> memref<128xi32, #tpu.memory_space<vmem>>
      %dma_start3A_946 = arith.constant 0 : i32
      %dma_start3A_947 = tpu.memref_slice %arg7[%dma_start3A_946] : memref<1024xf32, #tpu.memory_space<vmem_shared>> -> memref<1024xf32, #tpu.memory_space<vmem_shared>>
      tpu.enqueue_indirect_dma source(%arg5 : memref<128xf32, #tpu.memory_space<vmem>>) target(%dma_start3A_947 : memref<1024xf32, #tpu.memory_space<vmem_shared>>) offsets(%dma_start3A_945 : memref<128xi32, #tpu.memory_space<vmem>>) semaphore(%run_scoped3A_943 : memref<!tpu.dma_semaphore, #tpu.memory_space<semaphore_mem>>) {add = true}
      %dma_wait3A = arith.constant 0 : i32
      %dma_wait3A_948 = tpu.memref_slice %arg4[%run_scoped3A_937, %dma_wait3A] : memref<8x128xi32, #tpu.memory_space<vmem>> -> memref<1x128xi32, #tpu.memory_space<vmem>>
      %dma_wait3A_949 = tpu.memref_squeeze %dma_wait3A_948 : memref<1x128xi32, #tpu.memory_space<vmem>> -> memref<128xi32, #tpu.memory_space<vmem>>
      %dma_wait3A_950 = arith.constant 0 : i32
      %dma_wait3A_951 = tpu.memref_slice %arg7[%dma_wait3A_950] : memref<1024xf32, #tpu.memory_space<vmem_shared>> -> memref<1024xf32, #tpu.memory_space<vmem_shared>>
      tpu.wait_indirect_dma semaphore(%run_scoped3A_943 : memref<!tpu.dma_semaphore, #tpu.memory_space<semaphore_mem>>) src(%arg5 : memref<128xf32, #tpu.memory_space<vmem>>) dst(%dma_wait3A_951 : memref<1024xf32, #tpu.memory_space<vmem_shared>>)
      tpu.yield
    }) : () -> ()
    %run_scoped3A_938 = arith.constant 7 : i32
    "tpu.region"() ({
      %run_scoped3A_943 = tpu.sem_alloc : memref<!tpu.dma_semaphore, #tpu.memory_space<semaphore_mem>>
      %dma_start3A = arith.constant 0 : i32
      %dma_start3A_944 = tpu.memref_slice %arg4[%run_scoped3A_938, %dma_start3A] : memref<8x128xi32, #tpu.memory_space<vmem>> -> memref<1x128xi32, #tpu.memory_space<vmem>>
      %dma_start3A_945 = tpu.memref_squeeze %dma_start3A_944 : memref<1x128xi32, #tpu.memory_space<vmem>> -> memref<128xi32, #tpu.memory_space<vmem>>
      %dma_start3A_946 = arith.constant 0 : i32
      %dma_start3A_947 = tpu.memref_slice %arg7[%dma_start3A_946] : memref<1024xf32, #tpu.memory_space<vmem_shared>> -> memref<1024xf32, #tpu.memory_space<vmem_shared>>
      tpu.enqueue_indirect_dma source(%arg5 : memref<128xf32, #tpu.memory_space<vmem>>) target(%dma_start3A_947 : memref<1024xf32, #tpu.memory_space<vmem_shared>>) offsets(%dma_start3A_945 : memref<128xi32, #tpu.memory_space<vmem>>) semaphore(%run_scoped3A_943 : memref<!tpu.dma_semaphore, #tpu.memory_space<semaphore_mem>>) {add = true}
      %dma_wait3A = arith.constant 0 : i32
      %dma_wait3A_948 = tpu.memref_slice %arg4[%run_scoped3A_938, %dma_wait3A] : memref<8x128xi32, #tpu.memory_space<vmem>> -> memref<1x128xi32, #tpu.memory_space<vmem>>
      %dma_wait3A_949 = tpu.memref_squeeze %dma_wait3A_948 : memref<1x128xi32, #tpu.memory_space<vmem>> -> memref<128xi32, #tpu.memory_space<vmem>>
      %dma_wait3A_950 = arith.constant 0 : i32
      %dma_wait3A_951 = tpu.memref_slice %arg7[%dma_wait3A_950] : memref<1024xf32, #tpu.memory_space<vmem_shared>> -> memref<1024xf32, #tpu.memory_space<vmem_shared>>
      tpu.wait_indirect_dma semaphore(%run_scoped3A_943 : memref<!tpu.dma_semaphore, #tpu.memory_space<semaphore_mem>>) src(%arg5 : memref<128xf32, #tpu.memory_space<vmem>>) dst(%dma_wait3A_951 : memref<1024xf32, #tpu.memory_space<vmem_shared>>)
      tpu.yield
    }) : () -> ()
    %mul3A_939 = arith.constant 64 : i32
    %mul3A_940 = arith.muli %arg1, %mul3A_939 : i32
    "tpu.region"() ({
      %run_scoped3A_943 = tpu.sem_alloc : memref<!tpu.dma_semaphore, #tpu.memory_space<semaphore_mem>>
      %dma_start3A = tpu.memref_slice %arg7[%mul3A_940] : memref<1024xf32, #tpu.memory_space<vmem_shared>> -> memref<64xf32, #tpu.memory_space<vmem_shared>>
      %dma_start3A_944 = tpu.memref_slice %arg7[%mul3A_940] : memref<1024xf32, #tpu.memory_space<vmem_shared>> -> memref<64xf32, #tpu.memory_space<vmem_shared>>
      tpu.enqueue_dma source(%dma_start3A_944 : memref<64xf32, #tpu.memory_space<vmem_shared>>) target(%arg6 : memref<64xf32, #tpu.memory_space<vmem>>) target_semaphore(%run_scoped3A_943 : memref<!tpu.dma_semaphore, #tpu.memory_space<semaphore_mem>>)
      %dma_wait3A = tpu.memref_slice %arg7[%mul3A_940] : memref<1024xf32, #tpu.memory_space<vmem_shared>> -> memref<64xf32, #tpu.memory_space<vmem_shared>>
      %dma_wait3A_945 = tpu.memref_slice %arg7[%mul3A_940] : memref<1024xf32, #tpu.memory_space<vmem_shared>> -> memref<64xf32, #tpu.memory_space<vmem_shared>>
      tpu.wait_dma2 semaphore(%run_scoped3A_943 : memref<!tpu.dma_semaphore, #tpu.memory_space<semaphore_mem>>) src(%dma_wait3A_945 : memref<64xf32, #tpu.memory_space<vmem_shared>>) dst(%arg6 : memref<64xf32, #tpu.memory_space<vmem>>)
      tpu.yield
    }) : () -> ()
    %mul3A_941 = arith.constant 64 : i32
    %mul3A_942 = arith.muli %add3A, %mul3A_941 : i32
    "tpu.region"() ({
      %run_scoped3A_943 = tpu.sem_alloc : memref<!tpu.dma_semaphore, #tpu.memory_space<semaphore_mem>>
      %dma_start3A = tpu.memref_slice %arg3[%mul3A_942] : memref<2048xf32, #tpu.memory_space<hbm>> -> memref<64xf32, #tpu.memory_space<hbm>>
      %dma_start3A_944 = tpu.memref_slice %arg3[%mul3A_942] : memref<2048xf32, #tpu.memory_space<hbm>> -> memref<64xf32, #tpu.memory_space<hbm>>
      tpu.enqueue_dma source(%arg6 : memref<64xf32, #tpu.memory_space<vmem>>) target(%dma_start3A_944 : memref<64xf32, #tpu.memory_space<hbm>>) target_semaphore(%run_scoped3A_943 : memref<!tpu.dma_semaphore, #tpu.memory_space<semaphore_mem>>)
      %dma_wait3A = tpu.memref_slice %arg3[%mul3A_942] : memref<2048xf32, #tpu.memory_space<hbm>> -> memref<64xf32, #tpu.memory_space<hbm>>
      %dma_wait3A_945 = tpu.memref_slice %arg3[%mul3A_942] : memref<2048xf32, #tpu.memory_space<hbm>> -> memref<64xf32, #tpu.memory_space<hbm>>
      tpu.wait_dma2 semaphore(%run_scoped3A_943 : memref<!tpu.dma_semaphore, #tpu.memory_space<semaphore_mem>>) src(%arg6 : memref<64xf32, #tpu.memory_space<vmem>>) dst(%dma_wait3A_945 : memref<64xf32, #tpu.memory_space<hbm>>)
      tpu.yield
    }) : () -> ()
    return
  }
}

module attributes {stable_mosaic.version = 14 : i64} {
  func.func @_gate_body(%arg0: i32, %arg1: memref<1024x4096xf32, #tpu.memory_space<vmem>>, %arg2: memref<4096x64xf32, #tpu.memory_space<vmem>>, %arg3: memref<1x64xf32, #tpu.memory_space<vmem>>, %arg4: memref<2x1024xi32, #tpu.memory_space<vmem>>, %arg5: memref<2x1024xf32, #tpu.memory_space<vmem>>, %arg6: memref<1x64xf32, #tpu.memory_space<vmem>>, %arg7: memref<1x64xf32, #tpu.memory_space<vmem>>) attributes {dimension_semantics = [#tpu.dimension_semantics<arbitrary>], iteration_bounds = array<i64: 32>, scalar_prefetch = 0 : i64, scratch_operands = 1 : i64, tpu.core_type = #tpu.core_type<tc>, window_params = [{transform_indices = @transform_0, window_bounds = array<i64: 1024, 4096>}, {pipeline_mode = #tpu.pipeline_mode<synchronous>, transform_indices = @transform_1, window_bounds = array<i64: 4096, 64>}, {pipeline_mode = #tpu.pipeline_mode<synchronous>, transform_indices = @transform_2, window_bounds = array<i64: 1, 64>}, {transform_indices = @transform_3, window_bounds = array<i64: 2, 1024>}, {transform_indices = @transform_4, window_bounds = array<i64: 2, 1024>}, {pipeline_mode = #tpu.pipeline_mode<synchronous>, transform_indices = @transform_5, window_bounds = array<i64: 1, 64>}]} {
    %get3A = arith.constant 0 : index
    %get3A_0 = arith.constant 0 : index
    %get3A_1 = vector.load %arg1[%get3A, %get3A_0] : memref<1024x4096xf32, #tpu.memory_space<vmem>>, vector<1024x4096xf32>
    %get3A_2 = arith.constant 0 : index
    %get3A_3 = arith.constant 0 : index
    %get3A_4 = vector.load %arg2[%get3A_2, %get3A_3] : memref<4096x64xf32, #tpu.memory_space<vmem>>, vector<4096x64xf32>
    %dot_general3A = arith.constant dense<0.000000e+00> : vector<1024x64xf32>
    %dot_general3A_5 = tpu.matmul %get3A_1, %get3A_4, %dot_general3A {dimension_numbers = #tpu.dot_dimension_numbers<[1], [0], [0], [1], [0, 0, 1, 1], [], []>, transpose_lhs_hint = false} : vector<1024x4096xf32>, vector<4096x64xf32>, vector<1024x64xf32> -> vector<1024x64xf32>
    %get3A_6 = arith.constant 0 : index
    %get3A_7 = arith.constant 0 : index
    %get3A_8 = vector.load %arg3[%get3A_6, %get3A_7] : memref<1x64xf32, #tpu.memory_space<vmem>>, vector<1x64xf32>
    %add3A = vector.broadcast %get3A_8 : vector<1x64xf32> to vector<1024x64xf32>
    %add3A_9 = arith.addf %dot_general3A_5, %add3A : vector<1024x64xf32>
    %iota3A = tpu.iota {dimensions = array<i32: 1>} : vector<1024x64xi32>
    %reduce_max3A = arith.constant dense<0xFF800000> : vector<1024xf32>
    %reduce_max3A_10 = vector.multi_reduction <maximumf>, %add3A_9, %reduce_max3A [1] : vector<1024x64xf32> to vector<1024xf32>
    %broadcast_in_dim3A = vector.shape_cast %reduce_max3A_10 : vector<1024xf32> to vector<1024x1xf32>
    %eq3A = vector.broadcast %broadcast_in_dim3A : vector<1024x1xf32> to vector<1024x64xf32>
    %eq3A_11 = arith.cmpf oeq, %add3A_9, %eq3A : vector<1024x64xf32>
    %jit3A = arith.constant 64 : i32
    %broadcast_in_dim3A_12 = vector.broadcast %jit3A : i32 to vector<1024x64xi32>
    %select_n3A = arith.select %eq3A_11, %iota3A, %broadcast_in_dim3A_12 : vector<1024x64xi1>, vector<1024x64xi32>
    %reduce_min3A = arith.constant dense<2147483647> : vector<1024xi32>
    %reduce_min3A_13 = vector.multi_reduction <minsi>, %select_n3A, %reduce_min3A [1] : vector<1024x64xi32> to vector<1024xi32>
    %broadcast_in_dim3A_14 = vector.shape_cast %reduce_min3A_13 : vector<1024xi32> to vector<1024x1xi32>
    %eq3A_15 = vector.broadcast %broadcast_in_dim3A_14 : vector<1024x1xi32> to vector<1024x64xi32>
    %eq3A_16 = arith.cmpi eq, %iota3A, %eq3A_15 : vector<1024x64xi32>
    %jit3A_17 = arith.constant 0xFF800000 : f32
    %broadcast_in_dim3A_18 = vector.broadcast %jit3A_17 : f32 to vector<1024x64xf32>
    %select_n3A_19 = arith.select %eq3A_16, %broadcast_in_dim3A_18, %add3A_9 : vector<1024x64xi1>, vector<1024x64xf32>
    %reduce_max3A_20 = arith.constant dense<0xFF800000> : vector<1024xf32>
    %reduce_max3A_21 = vector.multi_reduction <maximumf>, %select_n3A_19, %reduce_max3A_20 [1] : vector<1024x64xf32> to vector<1024xf32>
    %broadcast_in_dim3A_22 = vector.shape_cast %reduce_max3A_21 : vector<1024xf32> to vector<1024x1xf32>
    %eq3A_23 = vector.broadcast %broadcast_in_dim3A_22 : vector<1024x1xf32> to vector<1024x64xf32>
    %eq3A_24 = arith.cmpf oeq, %select_n3A_19, %eq3A_23 : vector<1024x64xf32>
    %jit3A_25 = arith.constant 64 : i32
    %broadcast_in_dim3A_26 = vector.broadcast %jit3A_25 : i32 to vector<1024x64xi32>
    %select_n3A_27 = arith.select %eq3A_24, %iota3A, %broadcast_in_dim3A_26 : vector<1024x64xi1>, vector<1024x64xi32>
    %reduce_min3A_28 = arith.constant dense<2147483647> : vector<1024xi32>
    %reduce_min3A_29 = vector.multi_reduction <minsi>, %select_n3A_27, %reduce_min3A_28 [1] : vector<1024x64xi32> to vector<1024xi32>
    %broadcast_in_dim3A_30 = vector.shape_cast %reduce_min3A_29 : vector<1024xi32> to vector<1024x1xi32>
    %sub3A = vector.broadcast %broadcast_in_dim3A : vector<1024x1xf32> to vector<1024x64xf32>
    %sub3A_31 = arith.subf %add3A_9, %sub3A : vector<1024x64xf32>
    %exp3A = math.exp %sub3A_31 : vector<1024x64xf32>
    %reduce_sum3A = arith.constant dense<0.000000e+00> : vector<1024xf32>
    %reduce_sum3A_32 = vector.multi_reduction <add>, %exp3A, %reduce_sum3A [1] : vector<1024x64xf32> to vector<1024xf32>
    %broadcast_in_dim3A_33 = vector.shape_cast %reduce_sum3A_32 : vector<1024xf32> to vector<1024x1xf32>
    %div3A = arith.constant 1.000000e+00 : f32
    %div3A_34 = vector.broadcast %div3A : f32 to vector<1024x1xf32>
    %div3A_35 = arith.divf %div3A_34, %broadcast_in_dim3A_33 : vector<1024x1xf32>
    %sub3A_36 = arith.subf %broadcast_in_dim3A_22, %broadcast_in_dim3A : vector<1024x1xf32>
    %exp3A_37 = math.exp %sub3A_36 : vector<1024x1xf32>
    %mul3A = arith.mulf %exp3A_37, %div3A_35 : vector<1024x1xf32>
    %concatenate3A = tpu.concatenate %broadcast_in_dim3A_14, %broadcast_in_dim3A_30 in 1 : vector<1024x1xi32>, vector<1024x1xi32> -> vector<1024x2xi32>
    %transpose3A = tpu.transpose %concatenate3A, [1, 0] : vector<1024x2xi32> -> vector<2x1024xi32>
    %swap3A = arith.constant 0 : index
    %swap3A_38 = arith.constant 0 : index
    %swap3A_39 = vector.load %arg4[%swap3A, %swap3A_38] : memref<2x1024xi32, #tpu.memory_space<vmem>>, vector<2x1024xi32>
    tpu.vector_store %arg4[%swap3A, %swap3A_38], %transpose3A {strides = array<i32>} : memref<2x1024xi32, #tpu.memory_space<vmem>>, vector<2x1024xi32>,
    %concatenate3A_40 = tpu.concatenate %div3A_35, %mul3A in 1 : vector<1024x1xf32>, vector<1024x1xf32> -> vector<1024x2xf32>
    %transpose3A_41 = tpu.transpose %concatenate3A_40, [1, 0] : vector<1024x2xf32> -> vector<2x1024xf32>
    %swap3A_42 = arith.constant 0 : index
    %swap3A_43 = arith.constant 0 : index
    %swap3A_44 = vector.load %arg5[%swap3A_42, %swap3A_43] : memref<2x1024xf32, #tpu.memory_space<vmem>>, vector<2x1024xf32>
    tpu.vector_store %arg5[%swap3A_42, %swap3A_43], %transpose3A_41 {strides = array<i32>} : memref<2x1024xf32, #tpu.memory_space<vmem>>, vector<2x1024xf32>,
    %eq3A_45 = arith.constant 0 : i32
    %eq3A_46 = arith.cmpi eq, %arg0, %eq3A_45 : i32
    %convert_element_type3A = arith.extui %eq3A_46 : i1 to i32
    %cond3A = arith.constant 0 : i32
    %cond3A_47 = arith.cmpi ne, %convert_element_type3A, %cond3A : i32
    scf.if %cond3A_47 {
      %broadcast_in_dim3A_65 = arith.constant 0.000000e+00 : f32
      %broadcast_in_dim3A_66 = vector.broadcast %broadcast_in_dim3A_65 : f32 to vector<1x64xf32>
      %swap3A_67 = arith.constant 0 : index
      %swap3A_68 = arith.constant 0 : index
      %swap3A_69 = vector.load %arg7[%swap3A_67, %swap3A_68] : memref<1x64xf32, #tpu.memory_space<vmem>>, vector<1x64xf32>
      tpu.vector_store %arg7[%swap3A_67, %swap3A_68], %broadcast_in_dim3A_66 {strides = array<i32>} : memref<1x64xf32, #tpu.memory_space<vmem>>, vector<1x64xf32>,
    } else {
    }
    %get3A_48 = arith.constant 0 : index
    %get3A_49 = arith.constant 0 : index
    %get3A_50 = vector.load %arg7[%get3A_48, %get3A_49] : memref<1x64xf32, #tpu.memory_space<vmem>>, vector<1x64xf32>
    %mul3A_51 = vector.broadcast %div3A_35 : vector<1024x1xf32> to vector<1024x64xf32>
    %mul3A_52 = arith.mulf %exp3A, %mul3A_51 : vector<1024x64xf32>
    %reduce_sum3A_53 = arith.constant dense<0.000000e+00> : vector<64xf32>
    %reduce_sum3A_54 = vector.multi_reduction <add>, %mul3A_52, %reduce_sum3A_53 [0] : vector<1024x64xf32> to vector<64xf32>
    %broadcast_in_dim3A_55 = vector.shape_cast %reduce_sum3A_54 : vector<64xf32> to vector<1x64xf32>
    %add3A_56 = arith.addf %get3A_50, %broadcast_in_dim3A_55 : vector<1x64xf32>
    %swap3A_57 = arith.constant 0 : index
    %swap3A_58 = arith.constant 0 : index
    %swap3A_59 = vector.load %arg7[%swap3A_57, %swap3A_58] : memref<1x64xf32, #tpu.memory_space<vmem>>, vector<1x64xf32>
    tpu.vector_store %arg7[%swap3A_57, %swap3A_58], %add3A_56 {strides = array<i32>} : memref<1x64xf32, #tpu.memory_space<vmem>>, vector<1x64xf32>,
    %eq3A_60 = arith.constant 31 : i32
    %eq3A_61 = arith.cmpi eq, %arg0, %eq3A_60 : i32
    %convert_element_type3A_62 = arith.extui %eq3A_61 : i1 to i32
    %cond3A_63 = arith.constant 0 : i32
    %cond3A_64 = arith.cmpi ne, %convert_element_type3A_62, %cond3A_63 : i32
    scf.if %cond3A_64 {
      %get3A_65 = arith.constant 0 : index
      %get3A_66 = arith.constant 0 : index
      %get3A_67 = vector.load %arg7[%get3A_65, %get3A_66] : memref<1x64xf32, #tpu.memory_space<vmem>>, vector<1x64xf32>
      %swap3A_68 = arith.constant 0 : index
      %swap3A_69 = arith.constant 0 : index
      %swap3A_70 = vector.load %arg6[%swap3A_68, %swap3A_69] : memref<1x64xf32, #tpu.memory_space<vmem>>, vector<1x64xf32>
      tpu.vector_store %arg6[%swap3A_68, %swap3A_69], %get3A_67 {strides = array<i32>} : memref<1x64xf32, #tpu.memory_space<vmem>>, vector<1x64xf32>,
    } else {
    }
    return
  }
  func.func @transform_0(%arg0: i32) -> (i32, i32) {
    %c0_i32 = arith.constant 0 : i32
    %c0_i32_0 = arith.constant 0 : i32
    return %arg0, %c0_i32 : i32, i32
  }
  func.func @transform_1(%arg0: i32) -> (i32, i32) {
    %c0_i32 = arith.constant 0 : i32
    %c0_i32_0 = arith.constant 0 : i32
    %c0_i32_1 = arith.constant 0 : i32
    return %c0_i32, %c0_i32_0 : i32, i32
  }
  func.func @transform_2(%arg0: i32) -> (i32, i32) {
    %c0_i32 = arith.constant 0 : i32
    %c0_i32_0 = arith.constant 0 : i32
    %c0_i32_1 = arith.constant 0 : i32
    return %c0_i32, %c0_i32_0 : i32, i32
  }
  func.func @transform_3(%arg0: i32) -> (i32, i32) {
    %c0_i32 = arith.constant 0 : i32
    %c0_i32_0 = arith.constant 0 : i32
    return %c0_i32, %arg0 : i32, i32
  }
  func.func @transform_4(%arg0: i32) -> (i32, i32) {
    %c0_i32 = arith.constant 0 : i32
    %c0_i32_0 = arith.constant 0 : i32
    return %c0_i32, %arg0 : i32, i32
  }
  func.func @transform_5(%arg0: i32) -> (i32, i32) {
    %c0_i32 = arith.constant 0 : i32
    %c0_i32_0 = arith.constant 0 : i32
    %c0_i32_1 = arith.constant 0 : i32
    return %c0_i32, %c0_i32_0 : i32, i32
  }
}

</mosaic_0001>

<sc_bundles>
// kernel: kernel.4.cloned.1.call-start
scs
__scs_entry_jumppad:
0x0: {  	(pc) =	sbr.rel $0x88, $3  }
0x1: {  	(tag) =	ssettag $0x0;
	lr =	simm.s32 $0x1  }
0x2: {  	[smem:$0x3F9E] =	sst lr;
	_ =	strace $0xD0000000  }
0x3: {  	_ = 	snop  }
0x4: {  	_ = 	snop  }
0x5: {  	_ = 	snop  }
0x6: {  	_ = 	snop  }
0x7: {  	_ = 	snop  }
__scs_overlays_trampoline_lowered:
0x8: {  	[smem:$0x3FAD] =	sst s0  }
0x9: {  	[smem:$0x3FAE] =	sst s1  }
0xa: {  	[smem:$0x3FAF] =	sst s2  }
0xb: {  	[smem:$0x3FB0] =	sst s3  }
0xc: {  	[smem:$0x3FB1] =	sst s4  }
0xd: {  	[smem:$0x3FB2] =	sst s5  }
0xe: {  	[smem:$0x3FB3] =	sst s6  }
0xf: {  	[smem:$0x3FB4] =	sst s7  }
0x10: {  	[smem:$0x3FB5] =	sst s8  }
0x11: {  	[smem:$0x3FB6] =	sst s9;
	s0 =	simm.s32 @!p0 $0x0  }
0x12: {  	s1 =	sld [smem:$0x3F9C];
	s0 =	simm.s32 @p0 $0x1  }
0x13: {  	[smem:$0x3FB7] =	sst s0;
	s0 =	simm.s32 @!p1 $0x0  }
0x14: {  	s2 =	sld [smem:$0x3F9B];
	s0 =	simm.s32 @p1 $0x1  }
0x15: {  	[smem:$0x3FB8] =	sst s0;
	s0 =	simm.s32 @!p2 $0x0  }
0x16: {  	s3 =	sld [smem:$0x3FDB];
	s0 =	simm.s32 @p2 $0x1  }
0x17: {  	s4 =	simm.s32 $0x1BF5;
	[smem:$0x3FBA] =	sst s0  }
0x18: {  	s0 =	sld [smem:$0x3F9D];
	_ =	swait.ge [sflag:s4], $0x0  }
0x19: {  	s7 =	sld [smem:$0x3F9E]  }
0x1a: {  	s8 =	sadd.s32 $0xFFFFE003, lr  }
0x1b: {  	s9 =	sadd.s32 $0xFFFFFEF7, lr;
	s5 =	simm.s32 $0xFFFFFFFF;
	p2 =	slt.u32 s8, $0xFFFFF086  }
0x1c: {  	p1 =	slt.u32 s9, $0xF7A;
	s5 =	simm.s32 @!p2 $0x0  }
0x1d: {  	s5 =	simm.s32 @p1 $0x1;
	p0 =	seq.s32 s7, s2  }
0x1e: {  	s7 =	smul.u32 @!p0 $0xF7A, s2;
	p2 =	seq.s32 @!p0 s5, $0x0  }
0x1f: {  	s9 =	smul.u32 $0xF7A, s1;
	s8 =	simm.s32 @!p0 $0x1BF5;
	p2 =	por !p2, p0  }
0x20: {  	[sflag:s8] =	ssyncset.s32 @!p0 $0xFFFFF086;
	s6 =	sadd.s32 @!p0 s3, s7;
	s7 =	simm.s32 @!p0 $0x108  }
0x21: {  	s3 =	sadd.s32 s3, s9;
	s6 =	sadd.s32 @!p0 $0x88, s6;
	s7 =	simm.s32 @p2 $0x1082  }
0x22: {  	[simem:s7], [sflag:s8] =	dma.local @!p0 [hbm:s6], $0xF7A  }
0x23: {  	s9 =	sor.u32 $0xD0000000, s2;
	s6 =	simm.s32 $0x108;
	_ =	swait.ge @!p0 [sflag:s8], $0x0  }
0x24: {  	s3 =	sadd.s32 $0x88, s3;
	s6 =	simm.s32 @!p1 $0x1082;
	[sflag:s4] =	ssyncset.s32 $0xFFFFF086  }
0x25: {  	[simem:s6], [sflag:s4] =	dma.local [hbm:s3], $0xF7A  }
0x26: {  	[smem:$0x3F9E] =	sst s1;
	(tag) =	ssettag s2;
	_ =	strace s9  }
0x27: {  	s1 =	sld [smem:$0x3FAE]  }
0x28: {  	s2 =	sld [smem:$0x3FAF]  }
0x29: {  	s4 =	sld [smem:$0x3FB1]  }
0x2a: {  	p0 =	seq.s32 s5, $0x0;
	s5 =	sld [smem:$0x3FB2]  }
0x2b: {  	s6 =	sld [smem:$0x3FB3]  }
0x2c: {  	s7 =	sld [smem:$0x3FB4]  }
0x2d: {  	s3 =	simm.s32 $0x108;
	s8 =	sld [smem:$0x3FB5]  }
0x2e: {  	s3 =	simm.s32 @!p0 $0x1082;
	s9 =	sld [smem:$0x3FB6]  }
0x2f: {  	lr =	sadd.s32 s0, s3;
	s0 =	sld [smem:$0x3FAD]  }
0x30: {  	s3 =	sld [smem:$0x3FB0]  }
0x31: {  	[smem:$0x3FB9] =	sst s10  }
0x32: {  	s10 =	sld [smem:$0x3FB7];
	_ =	sdelay $0x3  }
0x33: {  	p0 =	seq.s32 s10, $0x1;
	s10 =	sld [smem:$0x3FB9];
	_ =	sdelay $0x3  }
0x34: {  	[smem:$0x3FB9] =	sst s10  }
0x35: {  	s10 =	sld [smem:$0x3FB8];
	_ =	sdelay $0x3  }
0x36: {  	p1 =	seq.s32 s10, $0x1;
	s10 =	sld [smem:$0x3FB9];
	_ =	sdelay $0x3  }
0x37: {  	[smem:$0x3FB9] =	sst s10  }
0x38: {  	s10 =	sld [smem:$0x3FBA]  }
0x39: {  	_ = 	snop;
	(pc) =	sbr.ind lr, $3  }
0x3a: {  	_ = 	snop  }
0x3b: {  	_ = 	snop  }
0x3c: {  	p2 =	seq.s32 s10, $0x1;
	s10 =	sld [smem:$0x3FB9]  }
0x3d: {  	_ =	shalt  }
0x3e: {  	_ =	shalt  }
0x3f: {  	_ =	shalt  }
0x40: {  	_ =	shalt  }
0x41: {  	_ =	shalt  }
0x42: {  	_ =	shalt  }
0x43: {  	_ =	shalt  }
0x44: {  	_ =	shalt  }
0x45: {  	_ =	shalt  }
0x46: {  	_ =	shalt  }
0x47: {  	_ =	shalt  }
0x48: {  	_ =	shalt  }
0x49: {  	_ =	shalt  }
0x4a: {  	_ =	shalt  }
0x4b: {  	_ =	shalt  }
0x4c: {  	_ =	shalt  }
0x4d: {  	_ =	shalt  }
0x4e: {  	_ =	shalt  }
0x4f: {  	_ =	shalt  }
0x50: {  	_ =	shalt  }
0x51: {  	_ =	shalt  }
0x52: {  	_ =	shalt  }
0x53: {  	_ =	shalt  }
0x54: {  	_ =	shalt  }
0x55: {  	_ =	shalt  }
0x56: {  	_ =	shalt  }
0x57: {  	_ =	shalt  }
0x58: {  	_ =	shalt  }
0x59: {  	_ =	shalt  }
0x5a: {  	_ =	shalt  }
0x5b: {  	_ =	shalt  }
0x5c: {  	_ =	shalt  }
0x5d: {  	_ =	shalt  }
0x5e: {  	_ =	shalt  }
0x5f: {  	_ =	shalt  }
0x60: {  	_ =	shalt  }
0x61: {  	_ =	shalt  }
0x62: {  	_ =	shalt  }
0x63: {  	_ =	shalt  }
0x64: {  	_ =	shalt  }
0x65: {  	_ =	shalt  }
0x66: {  	_ =	shalt  }
0x67: {  	_ =	shalt  }
0x68: {  	_ =	shalt  }
0x69: {  	_ =	shalt  }
0x6a: {  	_ =	shalt  }
0x6b: {  	_ =	shalt  }
0x6c: {  	_ =	shalt  }
0x6d: {  	_ =	shalt  }
0x6e: {  	_ =	shalt  }
0x6f: {  	_ =	shalt  }
0x70: {  	_ =	shalt  }
0x71: {  	_ =	shalt  }
0x72: {  	_ =	shalt  }
0x73: {  	_ =	shalt  }
0x74: {  	_ =	shalt  }
0x75: {  	_ =	shalt  }
0x76: {  	_ =	shalt  }
0x77: {  	_ =	shalt  }
0x78: {  	_ =	shalt  }
0x79: {  	_ =	shalt  }
0x7a: {  	_ =	shalt  }
0x7b: {  	_ =	shalt  }
0x7c: {  	_ =	shalt  }
0x7d: {  	_ =	shalt  }
0x7e: {  	_ =	shalt  }
0x7f: {  	_ =	shalt  }
0x80: {  	_ =	shalt  }
0x81: {  	_ =	shalt  }
0x82: {  	_ =	shalt  }
0x83: {  	_ =	shalt  }
0x84: {  	_ =	shalt  }
0x85: {  	_ =	shalt  }
0x86: {  	_ =	shalt  }
0x87: {  	_ =	shalt  }
.Lfunc_end0:
.L_simem_size_0:
called_computation_lowered:
.L_overlay_start_0:
0x88: {  	s2 =	sld [smem:$0x3FD9]  }
0x89: {  	s3 =	sld [smem:$0x3FFE];
	_ =	sdelay $0x1  }
0x8a: {  	s1 =	srdreg.scid  }
0x8b: {  	s0 =	sand.u32 $0x1, s1  }
0x8c: {  	s16 =	sshll.u32 s0, $0xA;
	s2 =	sadd.s32 s3, s2  }
0x8d: {  	s2 =	sadd.s32 s2, s16  }
0x8e: {  	[smem:$0x3FC5] =	sst s2  }
0x8f: {  	_ = 	snop  }
0x90: {  	(tm) =	ssettm $0x1  }
0x91: {  	s17 =	sld [smem:$0x3FFB];
	_ =	sdelay $0x3  }
0x92: {  	_ =	strace s17  }
0x93: {  	s2 =	sld [smem:$0x3FFC];
	_ =	sdelay $0x3  }
0x94: {  	_ =	strace s2  }
0x95: {  	s2 =	sld [smem:$0x3FFD];
	_ =	sdelay $0x3  }
0x96: {  	_ =	strace s2  }
0x97: {  	_ =	strace $0x8FFFFFFF  }
0x98: {  	s18 =	sld [smem:$0x3FDB];
	_ =	sdelay $0x1  }
0x99: {  	s19 =	simm.s32 $_scs_section_size  }
0x9a: {  	s4 =	simm.s32 $_size__tile_overlayer_lowered;
	s5 =	simm.s32 $_tile_overlayer_lowered  }
0x9b: {  	s22 =	simm.s32 $0x1BFF;
	s21 =	sshll.u32 s5, $0x1;
	s2 =	sadd.s32 s19, s18  }
0x9c: {  	s6 =	simm.s32 $0x0;
	s20 =	sshll.u32 s4, $0x1;
	s4 =	sadd.s32 s21, s2  }
0x9d: {  	[timem:s6], [sflag:s22] =	dma.local [hbm:s4], s20  }
0x9e: {  	_ =	swait.ge [sflag:s22], s20  }
0x9f: {  	s3 =	ssub.s32 $0x0, s20;
	[sflag:s22] =	ssyncset.done $0x0  }
0xa0: {  	[sflag:s22] =	ssyncadd.s32 s3;
	_ =	sdelay $0x1  }
0xa1: {  	s23 =	simm.s32 $0x1B8B  }
0xa2: {  	_ =	swait.ge [sflag:s23], $0x1  }
0xa3: {  	[sflag:s23] =	ssyncset.done $0x0  }
0xa4: {  	s25 =	simm.s32 $0x1B8E;
	s24 =	sld [smem:$0x3FFE];
	[sflag:s23] =	ssyncadd.s32 $0xFFFFFFFF  }
0xa5: {  	s26 =	simm.s32 $execute0_lowered;
	[smem:$0x3FD2] =	sst s25  }
0xa6: {  	s4 =	sshll.u32 s26, $0x1;
	_ =	strace $0x80000046;
	[dreg:$0x1] =	wrdreg $0xFFFFFFFF  }
0xa7: {  	s28 =	simm.s32 $_size_execute0_lowered;
	s2 =	sadd.s32 s2, s4;
	[dreg:$0x0] =	wrdreg $0x0  }
0xa8: {  	s4 =	sshll.u32 s28, $0x1;
	[dreg:$0x2] =	wrdreg s2  }
0xa9: {  	[dreg:$0x3] =	wrdreg s4  }
0xaa: {  	[dreg:$0x4] =	wrdreg $0xC0  }
0xab: {  	_ =	task [dreg:s6], $0x5FFFF  }
0xac: {  	[dreg:$0x1] =	wrdreg $0xFFFFFFFF  }
0xad: {  	[dreg:$0x0] =	wrdreg $0x60  }
0xae: {  	[dreg:$0x2] =	wrdreg s24  }
0xaf: {  	[dreg:$0x3] =	wrdreg $0x5000  }
0xb0: {  	[dreg:$0x4] =	wrdreg $0x9  }
0xb1: {  	_ =	task.clear_ibuf [dreg:s6], $0x5FFFF;
	_ =	strace $0x90000046  }
0xb2: {  	s29 =	simm.s32 $0x9;
	_ =	strace $0x80000048  }
0xb3: {  	_ =	swait.ge [sflag:s29], $0x1  }
0xb4: {  	[sflag:s29] =	ssyncadd.s32 $0xFFFFFFFF  }
0xb5: {  	_ =	strace $0x90000048  }
0xb6: {  	_ =	sfence  }
0xb7: {  	s30 =	sld [smem:$0x0];
	_ =	sdelay $0x2  }
0xb8: {  	s31 =	sshll.u32 s1, $0xD;
	s1 =	sshrl.u32 s1, $0x2  }
0xb9: {  	s3 =	sand.u32 $0x4000, s31;
	s1 =	sadd.s32 s1, s30  }
0xba: {  	s0 =	sor.u32 s3, s0;
	s1 =	sshll.u32 s1, $0x11  }
0xbb: {  	s0 =	sor.u32 s1, s0  }
0xbc: {  	s0 =	sadd.s32 $0x8F2B, s0  }
0xbd: {  	[sflag:s0] =	ssyncadd.remote.s32 $0x1  }
0xbe: {  	_ =	sfence.sel $0xFFFF  }
0xbf: {  	[dreg:$0x0] =	wrdreg $0xFFFFFFFF;
	(pc) =	sbr.abs _section_cstart, $3  }
0xc0: {  	[dreg:$0x1] =	wrdreg $0xFFFFFFFF  }
0xc1: {  	_ =	task.clear_ibuf [dreg:s6], $0x2FFFF;
	_ =	strace $0x9FFFFFFF  }
0xc2: {  	(tm) =	ssettm $0x7FFFFFFF  }
0xc3: {  	_ =	shalt  }
tec
execute0_lowered:
.L_overlay_start_1:
0x0: {  	(tag) =	ssettag $0x1  }
0x1: {  	s4 =	rddreg [dreg:$0x0]  }
0x2: {  	s2 =	rddreg [dreg:$0x1]  }
0x3: {  	s0 =	rddreg [dreg:$0x2]  }
0x4: {  	s5 =	srdreg.scid;
	s1 =	stileid.u32;
	s3 =	simm.s32 $0x0  }
0x5: {  	s15 =	simm.s32 $0x480;
	s16 =	simm.s32 $0x1;
	s17 =	simm.s32 $0x80  }
0x6: {  	s18 =	simm.s32 $0x100;
	s19 =	simm.s32 $0x180;
	s20 =	simm.s32 $0x200  }
0x7: {  	s21 =	simm.s32 $0x280;
	s23 =	simm.s32 $0x380;
	s24 =	simm.s32 $0x400  }
0x8: {  	s5 =	sand.u32 $0x1, s5;
	s6 =	sshll.u32 s1, $0x1;
	[smem:$0x7FF] =	sst s3  }
0x9: {  	s22 =	sshll.u32 s1, $0x6;
	s6 =	sor.u32 s5, s6;
	_ =	strace $0x80000047  }
0xa: {  	s5 =	ssub.s32 $0x2, s5;
	s7 =	sshll.u32 s6, $0x3;
	s6 =	sshll.u32 s6, $0x7  }
0xb: {  	s31 =	sshrl.u32 s5, $0x1;
	s13 =	sadd.s32 s7, s4;
	s4 =	sadd.s32 s4, s6  }
0xc: {  	v0 =	vmov s22;
	s14 =	ssub.s32 s5, s31;
	s5 =	sadd.s32 s22, s2;
	s22 =	simm.s32 $0x300  }
0xd: {  	s6 =	sadd.s32 $0x10, s4;
	s7 =	sadd.s32 $0x20, s4;
	s8 =	sadd.s32 $0x30, s4  }
0xe: {  	s9 =	sadd.s32 $0x40, s4;
	s10 =	sadd.s32 $0x50, s4;
	s11 =	sadd.s32 $0x60, s4  }
0xf: {  	v1 =	vimm.f32 $1.000000000e+00;
	v2 =	vimm.f32 $0.0e+00;
	s12 =	sadd.s32 $0x70, s4;
	s13 =	sadd.s32 $0x1000, s13;
	s14 =	smax.u32 s14, $0x1  }
.LBB2_1:
0x10: {  	[tilespmem:$0x400] =	vst v1  }
0x11: {  	[tilespmem:$0x410] =	vst v1  }
0x12: {  	[tilespmem:$0x420] =	vst v1  }
0x13: {  	[tilespmem:$0x430] =	vst v1  }
0x14: {  	[tilespmem:$0x440] =	vst v1  }
0x15: {  	[tilespmem:$0x450] =	vst v1  }
0x16: {  	[tilespmem:$0x460] =	vst v1  }
0x17: {  	[tilespmem:$0x470] =	vst v1  }
0x18: {  	[tilespmem:$0x480] =	vst v2  }
0x19: {  	[tilespmem:$0x490] =	vst v2  }
0x1a: {  	[tilespmem:$0x4A0] =	vst v2  }
0x1b: {  	[tilespmem:$0x4B0] =	vst v2  }
0x1c: {  	[spmem:s5] =	stream.linear.scatter [tilespmem:s15], [sflag:$0x1], $0x40, $0x38;
	[tilespmem:$0x540] =	vst v63  }
0x1d: {  	_ =	swait.ge [sflag:s16], $0x40  }
0x1e: {  	[sflag:s16] =	ssyncset.done $0x0  }
0x1f: {  	[sflag:s16] =	ssyncadd.s32 $0xFFFFFFC0  }
0x20: {  	[tilespmem:s3], [sflag:$0x1] =	stream.linear.gather [hbm4b:s4+s3], $0x80, $0x38;
	[tilespmem:$0x540] =	vst v63  }
0x21: {  	_ =	swait.ge [sflag:s16], $0x80  }
0x22: {  	[sflag:s16] =	ssyncset.done $0x0  }
0x23: {  	[sflag:s16] =	ssyncadd.s32 $0xFFFFFF80  }
0x24: {  	[tilespmem:s17], [sflag:$0x1] =	stream.linear.gather [hbm4b:s6+s3], $0x80, $0x38;
	[tilespmem:$0x540] =	vst v63  }
0x25: {  	_ =	swait.ge [sflag:s16], $0x80  }
0x26: {  	[sflag:s16] =	ssyncset.done $0x0  }
0x27: {  	[sflag:s16] =	ssyncadd.s32 $0xFFFFFF80  }
0x28: {  	[tilespmem:s18], [sflag:$0x1] =	stream.linear.gather [hbm4b:s7+s3], $0x80, $0x38;
	[tilespmem:$0x540] =	vst v63  }
0x29: {  	_ =	swait.ge [sflag:s16], $0x80  }
0x2a: {  	[sflag:s16] =	ssyncset.done $0x0  }
0x2b: {  	[sflag:s16] =	ssyncadd.s32 $0xFFFFFF80  }
0x2c: {  	[tilespmem:s19], [sflag:$0x1] =	stream.linear.gather [hbm4b:s8+s3], $0x80, $0x38;
	[tilespmem:$0x540] =	vst v63  }
0x2d: {  	_ =	swait.ge [sflag:s16], $0x80  }
0x2e: {  	[sflag:s16] =	ssyncset.done $0x0  }
0x2f: {  	[sflag:s16] =	ssyncadd.s32 $0xFFFFFF80  }
0x30: {  	[tilespmem:s20], [sflag:$0x1] =	stream.linear.gather [hbm4b:s9+s3], $0x80, $0x38;
	[tilespmem:$0x540] =	vst v63  }
0x31: {  	_ =	swait.ge [sflag:s16], $0x80  }
0x32: {  	[sflag:s16] =	ssyncset.done $0x0  }
0x33: {  	[sflag:s16] =	ssyncadd.s32 $0xFFFFFF80  }
0x34: {  	[tilespmem:s21], [sflag:$0x1] =	stream.linear.gather [hbm4b:s10+s3], $0x80, $0x38;
	[tilespmem:$0x540] =	vst v63  }
0x35: {  	_ =	swait.ge [sflag:s16], $0x80  }
0x36: {  	[sflag:s16] =	ssyncset.done $0x0  }
0x37: {  	[sflag:s16] =	ssyncadd.s32 $0xFFFFFF80  }
0x38: {  	[tilespmem:s22], [sflag:$0x1] =	stream.linear.gather [hbm4b:s11+s3], $0x80, $0x38;
	[tilespmem:$0x540] =	vst v63  }
0x39: {  	_ =	swait.ge [sflag:s16], $0x80  }
0x3a: {  	[sflag:s16] =	ssyncset.done $0x0  }
0x3b: {  	[sflag:s16] =	ssyncadd.s32 $0xFFFFFF80  }
0x3c: {  	[tilespmem:s23], [sflag:$0x1] =	stream.linear.gather [hbm4b:s12+s3], $0x80, $0x38;
	[tilespmem:$0x540] =	vst v63  }
0x3d: {  	_ =	swait.ge [sflag:s16], $0x80  }
0x3e: {  	[sflag:s16] =	ssyncset.done $0x0  }
0x3f: {  	[sflag:s16] =	ssyncadd.s32 $0xFFFFFF80  }
0x40: {  	v3 =	vld [tilespmem:$0x0]  }
0x41: {  	v4 =	vld [tilespmem:$0x10]  }
0x42: {  	v5 =	vld [tilespmem:$0x20]  }
0x43: {  	v6 =	vld [tilespmem:$0x30]  }
0x44: {  	v7 =	vld [tilespmem:$0x40]  }
0x45: {  	v8 =	vld [tilespmem:$0x50];
	v3 =	vadd.s32 v0, v3  }
0x46: {  	v58 =	vld [tilespmem:$0x60];
	[tilespmem:$0x0] =	vst v3;
	v3 =	vadd.s32 v0, v4  }
0x47: {  	v59 =	vld [tilespmem:$0x70];
	[tilespmem:$0x10] =	vst v3;
	v3 =	vadd.s32 v0, v5  }
0x48: {  	v60 =	vld [tilespmem:$0x80];
	[tilespmem:$0x20] =	vst v3;
	v3 =	vadd.s32 v0, v6  }
0x49: {  	v61 =	vld [tilespmem:$0x90];
	[tilespmem:$0x30] =	vst v3;
	v3 =	vadd.s32 v0, v7  }
0x4a: {  	v62 =	vld [tilespmem:$0xA0];
	[tilespmem:$0x40] =	vst v3;
	v3 =	vadd.s32 v0, v8  }
0x4b: {  	v63 =	vld [tilespmem:$0xB0];
	[tilespmem:$0x50] =	vst v3;
	v3 =	vadd.s32 v0, v58  }
0x4c: {  	v12 =	vld [tilespmem:$0xC0];
	[tilespmem:$0x60] =	vst v3;
	v3 =	vadd.s32 v0, v59  }
0x4d: {  	v13 =	vld [tilespmem:$0xD0];
	[tilespmem:$0x70] =	vst v3;
	v3 =	vadd.s32 v0, v60  }
0x4e: {  	v14 =	vld [tilespmem:$0xE0];
	[tilespmem:$0x80] =	vst v3;
	v3 =	vadd.s32 v0, v61  }
0x4f: {  	v15 =	vld [tilespmem:$0xF0];
	[tilespmem:$0x90] =	vst v3;
	v3 =	vadd.s32 v0, v62  }
0x50: {  	v16 =	vld [tilespmem:$0x100];
	[tilespmem:$0xA0] =	vst v3;
	v3 =	vadd.s32 v0, v63  }
0x51: {  	v17 =	vld [tilespmem:$0x110];
	[tilespmem:$0xB0] =	vst v3;
	v3 =	vadd.s32 v0, v12  }
0x52: {  	v18 =	vld [tilespmem:$0x120];
	[tilespmem:$0xC0] =	vst v3;
	v3 =	vadd.s32 v0, v13  }
0x53: {  	v19 =	vld [tilespmem:$0x130];
	[tilespmem:$0xD0] =	vst v3;
	v3 =	vadd.s32 v0, v14  }
0x54: {  	v20 =	vld [tilespmem:$0x140];
	[tilespmem:$0xE0] =	vst v3;
	v3 =	vadd.s32 v0, v15  }
0x55: {  	v21 =	vld [tilespmem:$0x150];
	[tilespmem:$0xF0] =	vst v3;
	v3 =	vadd.s32 v0, v16  }
0x56: {  	v22 =	vld [tilespmem:$0x160];
	[tilespmem:$0x100] =	vst v3;
	v3 =	vadd.s32 v0, v17  }
0x57: {  	v23 =	vld [tilespmem:$0x170];
	[tilespmem:$0x110] =	vst v3;
	v3 =	vadd.s32 v0, v18  }
0x58: {  	v24 =	vld [tilespmem:$0x180];
	[tilespmem:$0x120] =	vst v3;
	v3 =	vadd.s32 v0, v19  }
0x59: {  	v25 =	vld [tilespmem:$0x190];
	[tilespmem:$0x130] =	vst v3;
	v3 =	vadd.s32 v0, v20  }
0x5a: {  	v26 =	vld [tilespmem:$0x1A0];
	[tilespmem:$0x140] =	vst v3;
	v3 =	vadd.s32 v0, v21  }
0x5b: {  	v27 =	vld [tilespmem:$0x1B0];
	[tilespmem:$0x150] =	vst v3;
	v3 =	vadd.s32 v0, v22  }
0x5c: {  	v28 =	vld [tilespmem:$0x1C0];
	[tilespmem:$0x160] =	vst v3;
	v3 =	vadd.s32 v0, v23  }
0x5d: {  	v29 =	vld [tilespmem:$0x1D0];
	[tilespmem:$0x170] =	vst v3;
	v3 =	vadd.s32 v0, v24  }
0x5e: {  	v30 =	vld [tilespmem:$0x1E0];
	[tilespmem:$0x180] =	vst v3;
	v3 =	vadd.s32 v0, v25  }
0x5f: {  	v31 =	vld [tilespmem:$0x1F0];
	[tilespmem:$0x190] =	vst v3;
	v3 =	vadd.s32 v0, v26  }
0x60: {  	v32 =	vld [tilespmem:$0x200];
	[tilespmem:$0x1A0] =	vst v3;
	v3 =	vadd.s32 v0, v27  }
0x61: {  	v33 =	vld [tilespmem:$0x210];
	[tilespmem:$0x1B0] =	vst v3;
	v3 =	vadd.s32 v0, v28  }
0x62: {  	v34 =	vld [tilespmem:$0x220];
	[tilespmem:$0x1C0] =	vst v3;
	v3 =	vadd.s32 v0, v29  }
0x63: {  	v35 =	vld [tilespmem:$0x230];
	[tilespmem:$0x1D0] =	vst v3;
	v3 =	vadd.s32 v0, v30  }
0x64: {  	v36 =	vld [tilespmem:$0x240];
	[tilespmem:$0x1E0] =	vst v3;
	v3 =	vadd.s32 v0, v31  }
0x65: {  	v37 =	vld [tilespmem:$0x250];
	[tilespmem:$0x1F0] =	vst v3;
	v3 =	vadd.s32 v0, v32  }
0x66: {  	v38 =	vld [tilespmem:$0x260];
	[tilespmem:$0x200] =	vst v3;
	v3 =	vadd.s32 v0, v33  }
0x67: {  	v39 =	vld [tilespmem:$0x270];
	[tilespmem:$0x210] =	vst v3;
	v3 =	vadd.s32 v0, v34  }
0x68: {  	v40 =	vld [tilespmem:$0x280];
	[tilespmem:$0x220] =	vst v3;
	v3 =	vadd.s32 v0, v35  }
0x69: {  	v41 =	vld [tilespmem:$0x290];
	[tilespmem:$0x230] =	vst v3;
	v3 =	vadd.s32 v0, v36  }
0x6a: {  	v42 =	vld [tilespmem:$0x2A0];
	[tilespmem:$0x240] =	vst v3;
	v3 =	vadd.s32 v0, v37  }
0x6b: {  	v43 =	vld [tilespmem:$0x2B0];
	[tilespmem:$0x250] =	vst v3;
	v3 =	vadd.s32 v0, v38  }
0x6c: {  	v44 =	vld [tilespmem:$0x2C0];
	[tilespmem:$0x260] =	vst v3;
	v3 =	vadd.s32 v0, v39  }
0x6d: {  	v45 =	vld [tilespmem:$0x2D0];
	[tilespmem:$0x270] =	vst v3;
	v3 =	vadd.s32 v0, v40  }
0x6e: {  	v46 =	vld [tilespmem:$0x2E0];
	[tilespmem:$0x280] =	vst v3;
	v3 =	vadd.s32 v0, v41  }
0x6f: {  	v47 =	vld [tilespmem:$0x2F0];
	[tilespmem:$0x290] =	vst v3;
	v3 =	vadd.s32 v0, v42  }
0x70: {  	v48 =	vld [tilespmem:$0x300];
	[tilespmem:$0x2A0] =	vst v3;
	v3 =	vadd.s32 v0, v43  }
0x71: {  	v49 =	vld [tilespmem:$0x310];
	[tilespmem:$0x2B0] =	vst v3;
	v3 =	vadd.s32 v0, v44  }
0x72: {  	v50 =	vld [tilespmem:$0x320];
	[tilespmem:$0x2C0] =	vst v3;
	v3 =	vadd.s32 v0, v45  }
0x73: {  	v51 =	vld [tilespmem:$0x330];
	[tilespmem:$0x2D0] =	vst v3;
	v3 =	vadd.s32 v0, v46  }
0x74: {  	v52 =	vld [tilespmem:$0x340];
	[tilespmem:$0x2E0] =	vst v3;
	v3 =	vadd.s32 v0, v47  }
0x75: {  	v53 =	vld [tilespmem:$0x350];
	[tilespmem:$0x2F0] =	vst v3;
	v3 =	vadd.s32 v0, v48  }
0x76: {  	v54 =	vld [tilespmem:$0x360];
	[tilespmem:$0x300] =	vst v3;
	v3 =	vadd.s32 v0, v49  }
0x77: {  	v55 =	vld [tilespmem:$0x370];
	[tilespmem:$0x310] =	vst v3;
	v3 =	vadd.s32 v0, v50  }
0x78: {  	v56 =	vld [tilespmem:$0x380];
	[tilespmem:$0x320] =	vst v3;
	v3 =	vadd.s32 v0, v51  }
0x79: {  	v57 =	vld [tilespmem:$0x390];
	[tilespmem:$0x330] =	vst v3;
	v3 =	vadd.s32 v0, v52  }
0x7a: {  	v58 =	vld [tilespmem:$0x3A0];
	[tilespmem:$0x340] =	vst v3;
	v3 =	vadd.s32 v0, v53  }
0x7b: {  	v59 =	vld [tilespmem:$0x3B0];
	[tilespmem:$0x350] =	vst v3;
	v3 =	vadd.s32 v0, v54  }
0x7c: {  	v60 =	vld [tilespmem:$0x3C0];
	[tilespmem:$0x360] =	vst v3;
	v3 =	vadd.s32 v0, v55  }
0x7d: {  	v61 =	vld [tilespmem:$0x3D0];
	[tilespmem:$0x370] =	vst v3;
	v3 =	vadd.s32 v0, v56  }
0x7e: {  	v62 =	vld [tilespmem:$0x3E0];
	[tilespmem:$0x380] =	vst v3;
	v3 =	vadd.s32 v0, v57  }
0x7f: {  	v63 =	vld [tilespmem:$0x3F0];
	[tilespmem:$0x390] =	vst v3;
	v3 =	vadd.s32 v0, v58  }
0x80: {  	[tilespmem:$0x3A0] =	vst v3;
	v3 =	vadd.s32 v0, v59  }
0x81: {  	[tilespmem:$0x3B0] =	vst v3;
	v3 =	vadd.s32 v0, v60  }
0x82: {  	[tilespmem:$0x3C0] =	vst v3;
	v3 =	vadd.s32 v0, v61  }
0x83: {  	[tilespmem:$0x3D0] =	vst v3;
	v3 =	vadd.s32 v0, v62  }
0x84: {  	[tilespmem:$0x3E0] =	vst v3;
	v3 =	vadd.s32 v0, v63  }
0x85: {  	[tilespmem:$0x3F0] =	vst v3  }
0x86: {  	[spmem:s2] =	stream.indirect.scatter.add.f32 [tilespmem:s24], [sflag:$0x1], $0x1, s3, s17, $0xb8;
	[tilespmem:$0x540] =	vst v63  }
0x87: {  	_ =	swait.ge [sflag:s16], $0x80  }
0x88: {  	[sflag:s16] =	ssyncset.done $0x0  }
0x89: {  	[sflag:s16] =	ssyncadd.s32 $0xFFFFFF80  }
0x8a: {  	[spmem:s2] =	stream.indirect.scatter.add.f32 [tilespmem:s24], [sflag:$0x1], $0x1, s17, s17, $0xb8;
	[tilespmem:$0x540] =	vst v63  }
0x8b: {  	_ =	swait.ge [sflag:s16], $0x80  }
0x8c: {  	[sflag:s16] =	ssyncset.done $0x0  }
0x8d: {  	[sflag:s16] =	ssyncadd.s32 $0xFFFFFF80  }
0x8e: {  	[spmem:s2] =	stream.indirect.scatter.add.f32 [tilespmem:s24], [sflag:$0x1], $0x1, s18, s17, $0xb8;
	[tilespmem:$0x540] =	vst v63  }
0x8f: {  	_ =	swait.ge [sflag:s16], $0x80  }
0x90: {  	[sflag:s16] =	ssyncset.done $0x0  }
0x91: {  	[sflag:s16] =	ssyncadd.s32 $0xFFFFFF80  }
0x92: {  	[spmem:s2] =	stream.indirect.scatter.add.f32 [tilespmem:s24], [sflag:$0x1], $0x1, s19, s17, $0xb8;
	[tilespmem:$0x540] =	vst v63  }
0x93: {  	_ =	swait.ge [sflag:s16], $0x80  }
0x94: {  	[sflag:s16] =	ssyncset.done $0x0  }
0x95: {  	[sflag:s16] =	ssyncadd.s32 $0xFFFFFF80  }
0x96: {  	[spmem:s2] =	stream.indirect.scatter.add.f32 [tilespmem:s24], [sflag:$0x1], $0x1, s20, s17, $0xb8;
	[tilespmem:$0x540] =	vst v63  }
0x97: {  	_ =	swait.ge [sflag:s16], $0x80  }
0x98: {  	[sflag:s16] =	ssyncset.done $0x0  }
0x99: {  	[sflag:s16] =	ssyncadd.s32 $0xFFFFFF80  }
0x9a: {  	[spmem:s2] =	stream.indirect.scatter.add.f32 [tilespmem:s24], [sflag:$0x1], $0x1, s21, s17, $0xb8;
	[tilespmem:$0x540] =	vst v63  }
0x9b: {  	_ =	swait.ge [sflag:s16], $0x80  }
0x9c: {  	[sflag:s16] =	ssyncset.done $0x0  }
0x9d: {  	[sflag:s16] =	ssyncadd.s32 $0xFFFFFF80  }
0x9e: {  	[spmem:s2] =	stream.indirect.scatter.add.f32 [tilespmem:s24], [sflag:$0x1], $0x1, s22, s17, $0xb8;
	[tilespmem:$0x540] =	vst v63  }
0x9f: {  	_ =	swait.ge [sflag:s16], $0x80  }
0xa0: {  	[sflag:s16] =	ssyncset.done $0x0  }
0xa1: {  	[sflag:s16] =	ssyncadd.s32 $0xFFFFFF80  }
0xa2: {  	[spmem:s2] =	stream.indirect.scatter.add.f32 [tilespmem:s24], [sflag:$0x1], $0x1, s23, s17, $0xb8;
	[tilespmem:$0x540] =	vst v63  }
0xa3: {  	_ =	swait.ge [sflag:s16], $0x80  }
0xa4: {  	[sflag:s16] =	ssyncset.done $0x0  }
0xa5: {  	[sflag:s16] =	ssyncadd.s32 $0xFFFFFF80  }
0xa6: {  	[tilespmem:s15], [sflag:$0x1] =	stream.linear.gather [spmem:s5], $0x40, $0x38;
	[tilespmem:$0x540] =	vst v63  }
0xa7: {  	_ =	swait.ge [sflag:s16], $0x40  }
0xa8: {  	p0 =	sne.s32 s14, $0x1;
	[sflag:s16] =	ssyncset.done $0x0  }
.Ltmp0:
0xa9: {  	[sflag:s16] =	ssyncadd.s32 $0xFFFFFFC0;
	(pc) =	sbr.rel @p0 .LBB2_1-.Ltmp0, $4  }
0xaa: {  	[hbm4b:s13+s3] =	stream.linear.scatter [tilespmem:s15], [sflag:$0x1], $0x40, $0x38;
	[tilespmem:$0x540] =	vst v63  }
0xab: {  	_ =	swait.ge [sflag:s16], $0x40  }
0xac: {  	[sflag:s16] =	ssyncset.done $0x0  }
0xad: {  	s14 =	sadd.s32 $0xFFFFFFFF, s14;
	[sflag:s16] =	ssyncadd.s32 $0xFFFFFFC0  }
0xae: {  	_ =	sfence.sel $0x180000  }
0xaf: {  	[bflag:$0x0] =	sbarrier.arrive $0xFFFF  }
0xb0: {  	p0 =	sne.s32 s1, $0x0;
	_ =	strace $0x90000047  }
0xb1: {  	s0 =	sadd.s32 @!p0 $0x100000, s0;
	[bflag:$0x2] =	sbarrier.arrive $0xFFFF  }
0xb2: {  	[sflag:s0] =	ssyncadd.tile.s32 @!p0 $0x1;
	_ =	shalt  }
.Lfunc_end2:
_tile_overlayer_lowered:
.L_overlay_start_2:
0xb3: {  	(tag) =	ssettag $0x2  }
0xb4: {  	s0 =	rddreg [dreg:$0x0];
	s2 =	stileid.u32  }
0xb5: {  	s1 =	rddreg [dreg:$0x1];
	p0 =	sne.s32 s2, $0x0  }
0xb6: {  	s3 =	rddreg [dreg:$0x2];
	[bflag:$0x3] =	sbarrier.arrive $0xFFFF;
	s2 =	simm.s32 @!p0 $0x1C01  }
0xb7: {  	[timem:s3], [sflag:s2] =	dma.local @!p0 [hbm:s0], s1  }
0xb8: {  	s0 =	simm.s32 @!p0 $0x1  }
0xb9: {  	_ =	swait.ge @!p0 [sflag:s0], s1  }
0xba: {  	s1 =	ssub.s32 @!p0 $0x0, s1;
	[sflag:s0] =	ssyncset.done @!p0 $0x0  }
0xbb: {  	[sflag:s0] =	ssyncadd.s32 @!p0 s1  }
0xbc: {  	[bflag:$0x3] =	sbarrier.arrive $0xFFFF  }
0xbd: {  	_ =	shalt  }

</sc_bundles>
